<compile_context>
chip_gen: v7x
topology: tpu7x:2x2x1
jax: 0.10.2.dev20260603
libtpu: 0.0.44.dev20260713+nightly
codegen_flags: <defaults>
</compile_context>

<pallas_src>
import functools

import jax
import jax.numpy as jnp
from jax import lax
from jax.experimental import pallas as pl
from jax.experimental.pallas import tpu as pltpu
from jax.experimental.pallas import tpu_sc as plsc

THRESH = 0.002
SAMPLE_NUM = 8
FRAME_DIM = 6
EPS = 1e-7

N_CLOTH = 16384
N_HVERTS = 6890
N_HFACES = 13776

V_PAD = 6912
F_PAD = 13824
TFA = 512
TN = 512
BIG = 1e30

SC_NC = 2
SC_NS = 16
NW = SC_NC * SC_NS
GCHUNK = 128
NCH = 11
B_PAD = NW * NCH * GCHUNK

_pallas_call = pl.pallas_call


def _sc_gather(table, idx):
    mesh = plsc.VectorSubcoreMesh(core_axis_name="c", subcore_axis_name="s")

    @functools.partial(
        pl.kernel, mesh=mesh,
        compiler_params=pltpu.CompilerParams(use_tc_tiling_on_sc=False),
        out_type=jax.ShapeDtypeStruct((NW, NCH, GCHUNK, 16), jnp.float32),
        scratch_types=[
            pltpu.VMEM((NCH, GCHUNK), jnp.int32),
            pltpu.VMEM((NCH, GCHUNK, 16), jnp.float32),
            pltpu.SemaphoreType.DMA,
        ],
    )
    def k(table_hbm, idx_hbm, out_hbm, idx_v, rows_v, sem):
        wid = lax.axis_index("s") * SC_NC + lax.axis_index("c")
        pltpu.sync_copy(idx_hbm.at[wid], idx_v)
        for j in range(NCH):
            pltpu.async_copy(table_hbm.at[idx_v.at[j]], rows_v.at[j],
                             sem).wait()
        pltpu.sync_copy(rows_v, out_hbm.at[wid])

    return k(table, idx)


def _face_prep_kernel(a_ref, b_ref, c_ref, paug_ref):
    i = pl.program_id(0)
    a = a_ref[...]
    b = b_ref[...]
    c = c_ref[...]
    a1, b1, c1 = a[:, 0:3], b[:, 0:3], c[:, 0:3]
    a0, b0, c0 = a[:, 3:6], b[:, 3:6], c[:, 3:6]
    p_prev = (a0 + b0 + c0) / 3.0
    p_cur = (a1 + b1 + c1) / 3.0
    e1 = b1 - a1
    e2 = c1 - a1
    nx = e1[:, 1:2] * e2[:, 2:3] - e1[:, 2:3] * e2[:, 1:2]
    ny = e1[:, 2:3] * e2[:, 0:1] - e1[:, 0:1] * e2[:, 2:3]
    nz = e1[:, 0:1] * e2[:, 1:2] - e1[:, 1:2] * e2[:, 0:1]
    nrm = jnp.sqrt(nx * nx + ny * ny + nz * nz)
    inv = 1.0 / (nrm + EPS)
    n3 = jnp.concatenate([nx, ny, nz], axis=1) * inv
    cval = jnp.sum(p_cur * n3, axis=1, keepdims=True)
    pp2 = jnp.sum(p_prev * p_prev, axis=1, keepdims=True)
    row = jax.lax.broadcasted_iota(jnp.int32, (TFA, 1), 0) + i * TFA
    pad_bias = jnp.where(row < N_HFACES, pp2, BIG)
    ones = jnp.ones((TFA, 1), jnp.float32)
    zeros3 = jnp.zeros((TFA, 3), jnp.float32)
    zeros4 = jnp.zeros((TFA, 4), jnp.float32)
    paug_ref[...] = jnp.concatenate(
        [p_prev, pad_bias, ones, zeros3, n3, cval + THRESH, zeros4],
        axis=1)


def _knn_kernel(q_ref, lhs2_ref, paug_ref, pt_ref, out_ref):
    i = pl.program_id(0)
    nsteps = pl.num_programs(0)
    qr = q_ref[...]
    lhs2 = lhs2_ref[...]
    paug = paug_ref[...]
    pt = pt_ref[...]
    rhs2 = paug[:, 8:16]
    d2 = ((pt[3:4, :] + qr[:, 0:1] * pt[0:1, :])
          + qr[:, 1:2] * pt[1:2, :]) + qr[:, 2:3] * pt[2:3, :]
    sp = jax.lax.dot_general(lhs2, rhs2, (((1,), (1,)), ((), ())),
                             preferred_element_type=jnp.float32)
    CH = 512
    W = F_PAD // CH
    slices = [d2[:, k * CH:(k + 1) * CH] for k in range(W)]
    m1 = slices[0]
    for sl in slices[1:]:
        m1 = jnp.minimum(m1, sl)
    m2 = None
    for sl in slices:
        cand = jnp.where(sl <= m1, BIG, sl)
        m2 = cand if m2 is None else jnp.minimum(m2, cand)
    w = jnp.concatenate([m1, m2], axis=1)
    for _ in range(SAMPLE_NUM - 1):
        m = jnp.min(w, axis=1, keepdims=True)
        w = jnp.where(w <= m, BIG, w)
    t = jnp.min(w, axis=1, keepdims=True)
    pen = jnp.maximum(sp, 0.0)
    v = pen * pen * pen
    acc = jnp.sum(jnp.where(d2 <= t, v, 0.0), axis=1, keepdims=True)
    tsum = jnp.sum(acc, keepdims=True)
    prev = jnp.where(i == 0, jnp.zeros((1, 1), jnp.float32), out_ref[...])
    total = prev + tsum
    out_ref[...] = jnp.where(i == nsteps - 1, total / N_CLOTH, total)


def kernel(cls_score, label, state, h_state, h_faces):
    f32 = jnp.float32
    x1 = cls_score[0, :, 0:3].astype(f32)
    q = state[0, :, 0:3].astype(f32)
    ht1 = h_state[0, :, 0:3].astype(f32)
    ht0 = h_state[0, :, FRAME_DIM:FRAME_DIM + 3].astype(f32)
    faces = h_faces[0].astype(jnp.int32)

    verts = jnp.concatenate([ht1, ht0], axis=1)
    verts = jnp.pad(verts, ((0, V_PAD - N_HVERTS), (0, 10)))
    faces_p = jnp.pad(faces, ((0, F_PAD - N_HFACES), (0, 0)))

    idx_flat = jnp.concatenate(
        [faces_p[:, 0], faces_p[:, 1], faces_p[:, 2]])
    idx_flat = jnp.pad(idx_flat, (0, B_PAD - 3 * F_PAD))
    gathered = _sc_gather(verts, idx_flat.reshape(NW, NCH, GCHUNK))
    g = gathered.reshape(B_PAD, 16)
    va = g[0:F_PAD]
    vb = g[F_PAD:2 * F_PAD]
    vc = g[2 * F_PAD:3 * F_PAD]

    paug = _pallas_call(
        _face_prep_kernel,
        grid=(F_PAD // TFA,),
        in_specs=[
            pl.BlockSpec((TFA, 16), lambda i: (i, 0)),
            pl.BlockSpec((TFA, 16), lambda i: (i, 0)),
            pl.BlockSpec((TFA, 16), lambda i: (i, 0)),
        ],
        out_specs=pl.BlockSpec((TFA, 16), lambda i: (i, 0)),
        out_shape=jax.ShapeDtypeStruct((F_PAD, 16), f32),
    )(va, vb, vc)

    ones = jnp.ones((N_CLOTH, 1), f32)
    zeros3 = jnp.zeros((N_CLOTH, 3), f32)
    qpad = jnp.concatenate([-2.0 * q, ones, zeros3,
                            jnp.zeros((N_CLOTH, 1), f32)],
                           axis=1)
    lhs2 = jnp.concatenate([-x1, ones, zeros3, jnp.zeros((N_CLOTH, 1), f32)],
                           axis=1)
    pt = jnp.transpose(paug)

    loss = _pallas_call(
        _knn_kernel,
        grid=(N_CLOTH // TN,),
        in_specs=[
            pl.BlockSpec((TN, 8), lambda i: (i, 0)),
            pl.BlockSpec((TN, 8), lambda i: (i, 0)),
            pl.BlockSpec((F_PAD, 16), lambda i: (0, 0)),
            pl.BlockSpec((16, F_PAD), lambda i: (0, 0)),
        ],
        out_specs=pl.BlockSpec((1, 1), lambda i: (0, 0)),
        out_shape=jax.ShapeDtypeStruct((1, 1), f32),
        compiler_params=pltpu.CompilerParams(
            vmem_limit_bytes=120 * 1024 * 1024),
    )(qpad, lhs2, paug, pt)

    return jnp.reshape(loss, ())

# --- scband reference (transcript-rebuilt; emitter-appended) ---
"""Pipeline reference for scband-contact-loss-41721312313535 (READ-ONLY COPY).

The authoritative reference and input builder live on the scoring server;
editing this copy changes nothing except your own understanding.
"""

import jax, jax.numpy as jnp
import numpy as np

THRESH = 0.002
SAMPLE_NUM = 8
LOSS_WEIGHT = 1.0
FRAME_DIM = 6
EPS = 1e-7

N_CLOTH = 16384
N_HVERTS = 6890
N_HFACES = 13776


def setup_inputs(seed: int = 0) -> dict:
    key = jax.random.key(seed)
    k0, k1, k2, k3, k4 = jax.random.split(key, 5)
    cls_score = jax.random.normal(k0, (1, N_CLOTH, 6), dtype=jnp.float32)
    label = jax.random.randint(k1, (1, N_CLOTH), 0, 10, dtype=jnp.int64)
    state = jax.random.normal(k2, (1, N_CLOTH, 6), dtype=jnp.float32)
    h_state = jax.random.normal(k3, (1, N_HVERTS, 12), dtype=jnp.float32)
    h_faces = jax.random.randint(k4, (1, N_HFACES, 3), 0, N_HVERTS, dtype=jnp.int64)
    return {"cls_score": cls_score, "label": label, "state": state, "h_state": h_state, "h_faces": h_faces}


def _face_normals(verts, faces):
    # verts: [V, 3], faces: [F, 3] -> normalized face normals [F, 3]
    tri = verts[faces]  # [F, 3, 3]
    n = jnp.cross(tri[:, 1] - tri[:, 0], tri[:, 2] - tri[:, 0])
    return n / (jnp.linalg.norm(n, axis=-1, keepdims=True) + EPS)


def _contact_error(pred, state, h_state, h_faces):
    x_t1 = pred[:, :3]
    x_t0 = state[:, :3]
    h_t1 = h_state[:, :3]
    h_t0 = h_state[:, FRAME_DIM:FRAME_DIM + 3]
    # gather vertices per face and average -> face centers
    h_face_pos = h_t1[h_faces].mean(axis=-2)        # [F, 3]
    h_face_prev_pos = h_t0[h_faces].mean(axis=-2)   # [F, 3]
    h_face_normal = _face_normals(h_t1, h_faces)    # [F, 3]
    # QueryAndGroup with radius=None -> kNN of query centers x_t0 into face prev centers.
    # Indices are non-differentiable (int op in torch CUDA kernel) -> stop_gradient.
    q = jax.lax.stop_gradient(x_t0)
    p = jax.lax.stop_gradient(h_face_prev_pos)
    d2 = jnp.sum((q[:, None, :] - p[None, :, :]) ** 2, axis=-1)  # [N, F]
    _, grouped_idx = jax.lax.top_k(-d2, SAMPLE_NUM)              # [N, k]
    grouped_pos = h_face_pos[grouped_idx]        # [N, k, 3]
    grouped_normal = h_face_normal[grouped_idx]  # [N, k, 3]
    xyz_diff = jnp.sum((x_t1[:, None, :] - grouped_pos) * grouped_normal, axis=-1, keepdims=True)  # [N, k, 1]
    interpenetration = jnp.maximum(THRESH - xyz_diff, 0.0)
    loss = jnp.sum(interpenetration ** 3, axis=-2)  # [N, 1]
    return loss


def reference(cls_score, label, state, h_state, h_faces):
    # multi_apply over batch, then weight_reduce_loss(reduction='mean'), stack, mean, * loss_weight
    losses = []
    for b in range(cls_score.shape[0]):
        per_vert = _contact_error(cls_score[b], state[b], h_state[b], h_faces[b])
        losses.append(per_vert.mean())
    loss = jnp.stack(losses).mean() * LOSS_WEIGHT
    return loss

if __name__ == "__main__":
    import jax
    _d = setup_inputs()
    print(jax.jit(kernel)(*tuple(_d.values())))

</pallas_src>

<mosaic_0001>
#map = affine_map<(d0, d1) -> (0, 0)>
#map1 = affine_map<(d0, d1) -> (0, 0, 0)>
#map2 = affine_map<(d0, d1) -> (0, 0, 0, 0)>
module attributes {stable_mosaic.version = 14 : i64} {
  func.func @k(%arg0: i32, %arg1: i32, %arg2: memref<6912x16xf32, #tpu.memory_space<hbm>>, %arg3: memref<32x11x128xi32, #tpu.memory_space<hbm>>, %arg4: memref<32x11x128x16xf32, #tpu.memory_space<hbm>>, %arg5: memref<11x128xi32, #tpu.memory_space<vmem>>, %arg6: memref<11x128x16xf32, #tpu.memory_space<vmem>>, %arg7: memref<!tpu.dma_semaphore, #tpu.memory_space<semaphore_mem>>) attributes {dimension_semantics = [#tpu.dimension_semantics<core_parallel>, #tpu.dimension_semantics<subcore_parallel>], iteration_bounds = array<i64: 2, 16>, scalar_prefetch = 0 : i64, scratch_operands = 3 : i64, tpu.core_type = #tpu.core_type<sc_vector_subcore>, window_params = [{transform_indices = #map}, {transform_indices = #map1}, {transform_indices = #map2}]} {
    %mul3A = arith.constant 2 : i32
    %mul3A_0 = arith.muli %arg1, %mul3A : i32
    %add3A = arith.addi %mul3A_0, %arg0 : i32
    "tpu.region"() ({
      %run_scoped3A = tpu.sem_alloc : memref<!tpu.dma_semaphore, #tpu.memory_space<semaphore_mem>>
      %dma_start3A_263 = arith.constant 0 : i32
      %dma_start3A_264 = arith.constant 0 : i32
      %dma_start3A_265 = tpu.memref_slice %arg3[%add3A, %dma_start3A_263, %dma_start3A_264] : memref<32x11x128xi32, #tpu.memory_space<hbm>> -> memref<1x11x128xi32, #tpu.memory_space<hbm>>
      %dma_start3A_266 = tpu.memref_squeeze %dma_start3A_265 : memref<1x11x128xi32, #tpu.memory_space<hbm>> -> memref<11x128xi32, #tpu.memory_space<hbm>>
      %dma_start3A_267 = arith.constant 0 : i32
      %dma_start3A_268 = arith.constant 0 : i32
      %dma_start3A_269 = tpu.memref_slice %arg3[%add3A, %dma_start3A_267, %dma_start3A_268] : memref<32x11x128xi32, #tpu.memory_space<hbm>> -> memref<1x11x128xi32, #tpu.memory_space<hbm>>
      %dma_start3A_270 = tpu.memref_squeeze %dma_start3A_269 : memref<1x11x128xi32, #tpu.memory_space<hbm>> -> memref<11x128xi32, #tpu.memory_space<hbm>>
      tpu.enqueue_dma source(%dma_start3A_270 : memref<11x128xi32, #tpu.memory_space<hbm>>) target(%arg5 : memref<11x128xi32, #tpu.memory_space<vmem>>) target_semaphore(%run_scoped3A : memref<!tpu.dma_semaphore, #tpu.memory_space<semaphore_mem>>)
      %dma_wait3A_271 = arith.constant 0 : i32
      %dma_wait3A_272 = arith.constant 0 : i32
      %dma_wait3A_273 = tpu.memref_slice %arg3[%add3A, %dma_wait3A_271, %dma_wait3A_272] : memref<32x11x128xi32, #tpu.memory_space<hbm>> -> memref<1x11x128xi32, #tpu.memory_space<hbm>>
      %dma_wait3A_274 = tpu.memref_squeeze %dma_wait3A_273 : memref<1x11x128xi32, #tpu.memory_space<hbm>> -> memref<11x128xi32, #tpu.memory_space<hbm>>
      %dma_wait3A_275 = arith.constant 0 : i32
      %dma_wait3A_276 = arith.constant 0 : i32
      %dma_wait3A_277 = tpu.memref_slice %arg3[%add3A, %dma_wait3A_275, %dma_wait3A_276] : memref<32x11x128xi32, #tpu.memory_space<hbm>> -> memref<1x11x128xi32, #tpu.memory_space<hbm>>
      %dma_wait3A_278 = tpu.memref_squeeze %dma_wait3A_277 : memref<1x11x128xi32, #tpu.memory_space<hbm>> -> memref<11x128xi32, #tpu.memory_space<hbm>>
      tpu.wait_dma2 semaphore(%run_scoped3A : memref<!tpu.dma_semaphore, #tpu.memory_space<semaphore_mem>>) src(%dma_wait3A_278 : memref<11x128xi32, #tpu.memory_space<hbm>>) dst(%arg5 : memref<11x128xi32, #tpu.memory_space<vmem>>)
      tpu.yield
    }) : () -> ()
    %dma_start3A = arith.constant 0 : i32
    %dma_start3A_1 = arith.constant 0 : i32
    %dma_start3A_2 = arith.constant 0 : i32
    %dma_start3A_3 = arith.constant 0 : i32
    %dma_start3A_4 = tpu.memref_slice %arg6[%dma_start3A_1, %dma_start3A_2, %dma_start3A_3] : memref<11x128x16xf32, #tpu.memory_space<vmem>> -> memref<1x128x16xf32, #tpu.memory_space<vmem>>
    %dma_start3A_5 = tpu.memref_squeeze %dma_start3A_4 : memref<1x128x16xf32, #tpu.memory_space<vmem>> -> memref<128x16xf32, #tpu.memory_space<vmem>>
    %dma_start3A_6 = arith.constant 0 : i32
    %dma_start3A_7 = tpu.memref_slice %arg5[%dma_start3A, %dma_start3A_6] : memref<11x128xi32, #tpu.memory_space<vmem>> -> memref<1x128xi32, #tpu.memory_space<vmem>>
    %dma_start3A_8 = tpu.memref_squeeze %dma_start3A_7 : memref<1x128xi32, #tpu.memory_space<vmem>> -> memref<128xi32, #tpu.memory_space<vmem>>
    %dma_start3A_9 = arith.constant 0 : i32
    %dma_start3A_10 = arith.constant 0 : i32
    %dma_start3A_11 = tpu.memref_slice %arg2[%dma_start3A_9, %dma_start3A_10] : memref<6912x16xf32, #tpu.memory_space<hbm>> -> memref<6912x16xf32, #tpu.memory_space<hbm>>
    tpu.enqueue_indirect_dma source(%dma_start3A_11 : memref<6912x16xf32, #tpu.memory_space<hbm>>) target(%dma_start3A_5 : memref<128x16xf32, #tpu.memory_space<vmem>>) offsets(%dma_start3A_8 : memref<128xi32, #tpu.memory_space<vmem>>) semaphore(%arg7 : memref<!tpu.dma_semaphore, #tpu.memory_space<semaphore_mem>>)
    %dma_wait3A = arith.constant 0 : i32
    %dma_wait3A_12 = arith.constant 0 : i32
    %dma_wait3A_13 = arith.constant 0 : i32
    %dma_wait3A_14 = arith.constant 0 : i32
    %dma_wait3A_15 = tpu.memref_slice %arg6[%dma_wait3A_12, %dma_wait3A_13, %dma_wait3A_14] : memref<11x128x16xf32, #tpu.memory_space<vmem>> -> memref<1x128x16xf32, #tpu.memory_space<vmem>>
    %dma_wait3A_16 = tpu.memref_squeeze %dma_wait3A_15 : memref<1x128x16xf32, #tpu.memory_space<vmem>> -> memref<128x16xf32, #tpu.memory_space<vmem>>
    %dma_wait3A_17 = arith.constant 0 : i32
    %dma_wait3A_18 = tpu.memref_slice %arg5[%dma_wait3A, %dma_wait3A_17] : memref<11x128xi32, #tpu.memory_space<vmem>> -> memref<1x128xi32, #tpu.memory_space<vmem>>
    %dma_wait3A_19 = tpu.memref_squeeze %dma_wait3A_18 : memref<1x128xi32, #tpu.memory_space<vmem>> -> memref<128xi32, #tpu.memory_space<vmem>>
    %dma_wait3A_20 = arith.constant 0 : i32
    %dma_wait3A_21 = arith.constant 0 : i32
    %dma_wait3A_22 = tpu.memref_slice %arg2[%dma_wait3A_20, %dma_wait3A_21] : memref<6912x16xf32, #tpu.memory_space<hbm>> -> memref<6912x16xf32, #tpu.memory_space<hbm>>
    tpu.wait_indirect_dma semaphore(%arg7 : memref<!tpu.dma_semaphore, #tpu.memory_space<semaphore_mem>>) src(%dma_wait3A_22 : memref<6912x16xf32, #tpu.memory_space<hbm>>) dst(%dma_wait3A_16 : memref<128x16xf32, #tpu.memory_space<vmem>>)
    %dma_start3A_23 = arith.constant 1 : i32
    %dma_start3A_24 = arith.constant 1 : i32
    %dma_start3A_25 = arith.constant 0 : i32
    %dma_start3A_26 = arith.constant 0 : i32
    %dma_start3A_27 = tpu.memref_slice %arg6[%dma_start3A_24, %dma_start3A_25, %dma_start3A_26] : memref<11x128x16xf32, #tpu.memory_space<vmem>> -> memref<1x128x16xf32, #tpu.memory_space<vmem>>
    %dma_start3A_28 = tpu.memref_squeeze %dma_start3A_27 : memref<1x128x16xf32, #tpu.memory_space<vmem>> -> memref<128x16xf32, #tpu.memory_space<vmem>>
    %dma_start3A_29 = arith.constant 0 : i32
    %dma_start3A_30 = tpu.memref_slice %arg5[%dma_start3A_23, %dma_start3A_29] : memref<11x128xi32, #tpu.memory_space<vmem>> -> memref<1x128xi32, #tpu.memory_space<vmem>>
    %dma_start3A_31 = tpu.memref_squeeze %dma_start3A_30 : memref<1x128xi32, #tpu.memory_space<vmem>> -> memref<128xi32, #tpu.memory_space<vmem>>
    %dma_start3A_32 = arith.constant 0 : i32
    %dma_start3A_33 = arith.constant 0 : i32
    %dma_start3A_34 = tpu.memref_slice %arg2[%dma_start3A_32, %dma_start3A_33] : memref<6912x16xf32, #tpu.memory_space<hbm>> -> memref<6912x16xf32, #tpu.memory_space<hbm>>
    tpu.enqueue_indirect_dma source(%dma_start3A_34 : memref<6912x16xf32, #tpu.memory_space<hbm>>) target(%dma_start3A_28 : memref<128x16xf32, #tpu.memory_space<vmem>>) offsets(%dma_start3A_31 : memref<128xi32, #tpu.memory_space<vmem>>) semaphore(%arg7 : memref<!tpu.dma_semaphore, #tpu.memory_space<semaphore_mem>>)
    %dma_wait3A_35 = arith.constant 1 : i32
    %dma_wait3A_36 = arith.constant 1 : i32
    %dma_wait3A_37 = arith.constant 0 : i32
    %dma_wait3A_38 = arith.constant 0 : i32
    %dma_wait3A_39 = tpu.memref_slice %arg6[%dma_wait3A_36, %dma_wait3A_37, %dma_wait3A_38] : memref<11x128x16xf32, #tpu.memory_space<vmem>> -> memref<1x128x16xf32, #tpu.memory_space<vmem>>
    %dma_wait3A_40 = tpu.memref_squeeze %dma_wait3A_39 : memref<1x128x16xf32, #tpu.memory_space<vmem>> -> memref<128x16xf32, #tpu.memory_space<vmem>>
    %dma_wait3A_41 = arith.constant 0 : i32
    %dma_wait3A_42 = tpu.memref_slice %arg5[%dma_wait3A_35, %dma_wait3A_41] : memref<11x128xi32, #tpu.memory_space<vmem>> -> memref<1x128xi32, #tpu.memory_space<vmem>>
    %dma_wait3A_43 = tpu.memref_squeeze %dma_wait3A_42 : memref<1x128xi32, #tpu.memory_space<vmem>> -> memref<128xi32, #tpu.memory_space<vmem>>
    %dma_wait3A_44 = arith.constant 0 : i32
    %dma_wait3A_45 = arith.constant 0 : i32
    %dma_wait3A_46 = tpu.memref_slice %arg2[%dma_wait3A_44, %dma_wait3A_45] : memref<6912x16xf32, #tpu.memory_space<hbm>> -> memref<6912x16xf32, #tpu.memory_space<hbm>>
    tpu.wait_indirect_dma semaphore(%arg7 : memref<!tpu.dma_semaphore, #tpu.memory_space<semaphore_mem>>) src(%dma_wait3A_46 : memref<6912x16xf32, #tpu.memory_space<hbm>>) dst(%dma_wait3A_40 : memref<128x16xf32, #tpu.memory_space<vmem>>)
    %dma_start3A_47 = arith.constant 2 : i32
    %dma_start3A_48 = arith.constant 2 : i32
    %dma_start3A_49 = arith.constant 0 : i32
    %dma_start3A_50 = arith.constant 0 : i32
    %dma_start3A_51 = tpu.memref_slice %arg6[%dma_start3A_48, %dma_start3A_49, %dma_start3A_50] : memref<11x128x16xf32, #tpu.memory_space<vmem>> -> memref<1x128x16xf32, #tpu.memory_space<vmem>>
    %dma_start3A_52 = tpu.memref_squeeze %dma_start3A_51 : memref<1x128x16xf32, #tpu.memory_space<vmem>> -> memref<128x16xf32, #tpu.memory_space<vmem>>
    %dma_start3A_53 = arith.constant 0 : i32
    %dma_start3A_54 = tpu.memref_slice %arg5[%dma_start3A_47, %dma_start3A_53] : memref<11x128xi32, #tpu.memory_space<vmem>> -> memref<1x128xi32, #tpu.memory_space<vmem>>
    %dma_start3A_55 = tpu.memref_squeeze %dma_start3A_54 : memref<1x128xi32, #tpu.memory_space<vmem>> -> memref<128xi32, #tpu.memory_space<vmem>>
    %dma_start3A_56 = arith.constant 0 : i32
    %dma_start3A_57 = arith.constant 0 : i32
    %dma_start3A_58 = tpu.memref_slice %arg2[%dma_start3A_56, %dma_start3A_57] : memref<6912x16xf32, #tpu.memory_space<hbm>> -> memref<6912x16xf32, #tpu.memory_space<hbm>>
    tpu.enqueue_indirect_dma source(%dma_start3A_58 : memref<6912x16xf32, #tpu.memory_space<hbm>>) target(%dma_start3A_52 : memref<128x16xf32, #tpu.memory_space<vmem>>) offsets(%dma_start3A_55 : memref<128xi32, #tpu.memory_space<vmem>>) semaphore(%arg7 : memref<!tpu.dma_semaphore, #tpu.memory_space<semaphore_mem>>)
    %dma_wait3A_59 = arith.constant 2 : i32
    %dma_wait3A_60 = arith.constant 2 : i32
    %dma_wait3A_61 = arith.constant 0 : i32
    %dma_wait3A_62 = arith.constant 0 : i32
    %dma_wait3A_63 = tpu.memref_slice %arg6[%dma_wait3A_60, %dma_wait3A_61, %dma_wait3A_62] : memref<11x128x16xf32, #tpu.memory_space<vmem>> -> memref<1x128x16xf32, #tpu.memory_space<vmem>>
    %dma_wait3A_64 = tpu.memref_squeeze %dma_wait3A_63 : memref<1x128x16xf32, #tpu.memory_space<vmem>> -> memref<128x16xf32, #tpu.memory_space<vmem>>
    %dma_wait3A_65 = arith.constant 0 : i32
    %dma_wait3A_66 = tpu.memref_slice %arg5[%dma_wait3A_59, %dma_wait3A_65] : memref<11x128xi32, #tpu.memory_space<vmem>> -> memref<1x128xi32, #tpu.memory_space<vmem>>
    %dma_wait3A_67 = tpu.memref_squeeze %dma_wait3A_66 : memref<1x128xi32, #tpu.memory_space<vmem>> -> memref<128xi32, #tpu.memory_space<vmem>>
    %dma_wait3A_68 = arith.constant 0 : i32
    %dma_wait3A_69 = arith.constant 0 : i32
    %dma_wait3A_70 = tpu.memref_slice %arg2[%dma_wait3A_68, %dma_wait3A_69] : memref<6912x16xf32, #tpu.memory_space<hbm>> -> memref<6912x16xf32, #tpu.memory_space<hbm>>
    tpu.wait_indirect_dma semaphore(%arg7 : memref<!tpu.dma_semaphore, #tpu.memory_space<semaphore_mem>>) src(%dma_wait3A_70 : memref<6912x16xf32, #tpu.memory_space<hbm>>) dst(%dma_wait3A_64 : memref<128x16xf32, #tpu.memory_space<vmem>>)
    %dma_start3A_71 = arith.constant 3 : i32
    %dma_start3A_72 = arith.constant 3 : i32
    %dma_start3A_73 = arith.constant 0 : i32
    %dma_start3A_74 = arith.constant 0 : i32
    %dma_start3A_75 = tpu.memref_slice %arg6[%dma_start3A_72, %dma_start3A_73, %dma_start3A_74] : memref<11x128x16xf32, #tpu.memory_space<vmem>> -> memref<1x128x16xf32, #tpu.memory_space<vmem>>
    %dma_start3A_76 = tpu.memref_squeeze %dma_start3A_75 : memref<1x128x16xf32, #tpu.memory_space<vmem>> -> memref<128x16xf32, #tpu.memory_space<vmem>>
    %dma_start3A_77 = arith.constant 0 : i32
    %dma_start3A_78 = tpu.memref_slice %arg5[%dma_start3A_71, %dma_start3A_77] : memref<11x128xi32, #tpu.memory_space<vmem>> -> memref<1x128xi32, #tpu.memory_space<vmem>>
    %dma_start3A_79 = tpu.memref_squeeze %dma_start3A_78 : memref<1x128xi32, #tpu.memory_space<vmem>> -> memref<128xi32, #tpu.memory_space<vmem>>
    %dma_start3A_80 = arith.constant 0 : i32
    %dma_start3A_81 = arith.constant 0 : i32
    %dma_start3A_82 = tpu.memref_slice %arg2[%dma_start3A_80, %dma_start3A_81] : memref<6912x16xf32, #tpu.memory_space<hbm>> -> memref<6912x16xf32, #tpu.memory_space<hbm>>
    tpu.enqueue_indirect_dma source(%dma_start3A_82 : memref<6912x16xf32, #tpu.memory_space<hbm>>) target(%dma_start3A_76 : memref<128x16xf32, #tpu.memory_space<vmem>>) offsets(%dma_start3A_79 : memref<128xi32, #tpu.memory_space<vmem>>) semaphore(%arg7 : memref<!tpu.dma_semaphore, #tpu.memory_space<semaphore_mem>>)
    %dma_wait3A_83 = arith.constant 3 : i32
    %dma_wait3A_84 = arith.constant 3 : i32
    %dma_wait3A_85 = arith.constant 0 : i32
    %dma_wait3A_86 = arith.constant 0 : i32
    %dma_wait3A_87 = tpu.memref_slice %arg6[%dma_wait3A_84, %dma_wait3A_85, %dma_wait3A_86] : memref<11x128x16xf32, #tpu.memory_space<vmem>> -> memref<1x128x16xf32, #tpu.memory_space<vmem>>
    %dma_wait3A_88 = tpu.memref_squeeze %dma_wait3A_87 : memref<1x128x16xf32, #tpu.memory_space<vmem>> -> memref<128x16xf32, #tpu.memory_space<vmem>>
    %dma_wait3A_89 = arith.constant 0 : i32
    %dma_wait3A_90 = tpu.memref_slice %arg5[%dma_wait3A_83, %dma_wait3A_89] : memref<11x128xi32, #tpu.memory_space<vmem>> -> memref<1x128xi32, #tpu.memory_space<vmem>>
    %dma_wait3A_91 = tpu.memref_squeeze %dma_wait3A_90 : memref<1x128xi32, #tpu.memory_space<vmem>> -> memref<128xi32, #tpu.memory_space<vmem>>
    %dma_wait3A_92 = arith.constant 0 : i32
    %dma_wait3A_93 = arith.constant 0 : i32
    %dma_wait3A_94 = tpu.memref_slice %arg2[%dma_wait3A_92, %dma_wait3A_93] : memref<6912x16xf32, #tpu.memory_space<hbm>> -> memref<6912x16xf32, #tpu.memory_space<hbm>>
    tpu.wait_indirect_dma semaphore(%arg7 : memref<!tpu.dma_semaphore, #tpu.memory_space<semaphore_mem>>) src(%dma_wait3A_94 : memref<6912x16xf32, #tpu.memory_space<hbm>>) dst(%dma_wait3A_88 : memref<128x16xf32, #tpu.memory_space<vmem>>)
    %dma_start3A_95 = arith.constant 4 : i32
    %dma_start3A_96 = arith.constant 4 : i32
    %dma_start3A_97 = arith.constant 0 : i32
    %dma_start3A_98 = arith.constant 0 : i32
    %dma_start3A_99 = tpu.memref_slice %arg6[%dma_start3A_96, %dma_start3A_97, %dma_start3A_98] : memref<11x128x16xf32, #tpu.memory_space<vmem>> -> memref<1x128x16xf32, #tpu.memory_space<vmem>>
    %dma_start3A_100 = tpu.memref_squeeze %dma_start3A_99 : memref<1x128x16xf32, #tpu.memory_space<vmem>> -> memref<128x16xf32, #tpu.memory_space<vmem>>
    %dma_start3A_101 = arith.constant 0 : i32
    %dma_start3A_102 = tpu.memref_slice %arg5[%dma_start3A_95, %dma_start3A_101] : memref<11x128xi32, #tpu.memory_space<vmem>> -> memref<1x128xi32, #tpu.memory_space<vmem>>
    %dma_start3A_103 = tpu.memref_squeeze %dma_start3A_102 : memref<1x128xi32, #tpu.memory_space<vmem>> -> memref<128xi32, #tpu.memory_space<vmem>>
    %dma_start3A_104 = arith.constant 0 : i32
    %dma_start3A_105 = arith.constant 0 : i32
    %dma_start3A_106 = tpu.memref_slice %arg2[%dma_start3A_104, %dma_start3A_105] : memref<6912x16xf32, #tpu.memory_space<hbm>> -> memref<6912x16xf32, #tpu.memory_space<hbm>>
    tpu.enqueue_indirect_dma source(%dma_start3A_106 : memref<6912x16xf32, #tpu.memory_space<hbm>>) target(%dma_start3A_100 : memref<128x16xf32, #tpu.memory_space<vmem>>) offsets(%dma_start3A_103 : memref<128xi32, #tpu.memory_space<vmem>>) semaphore(%arg7 : memref<!tpu.dma_semaphore, #tpu.memory_space<semaphore_mem>>)
    %dma_wait3A_107 = arith.constant 4 : i32
    %dma_wait3A_108 = arith.constant 4 : i32
    %dma_wait3A_109 = arith.constant 0 : i32
    %dma_wait3A_110 = arith.constant 0 : i32
    %dma_wait3A_111 = tpu.memref_slice %arg6[%dma_wait3A_108, %dma_wait3A_109, %dma_wait3A_110] : memref<11x128x16xf32, #tpu.memory_space<vmem>> -> memref<1x128x16xf32, #tpu.memory_space<vmem>>
    %dma_wait3A_112 = tpu.memref_squeeze %dma_wait3A_111 : memref<1x128x16xf32, #tpu.memory_space<vmem>> -> memref<128x16xf32, #tpu.memory_space<vmem>>
    %dma_wait3A_113 = arith.constant 0 : i32
    %dma_wait3A_114 = tpu.memref_slice %arg5[%dma_wait3A_107, %dma_wait3A_113] : memref<11x128xi32, #tpu.memory_space<vmem>> -> memref<1x128xi32, #tpu.memory_space<vmem>>
    %dma_wait3A_115 = tpu.memref_squeeze %dma_wait3A_114 : memref<1x128xi32, #tpu.memory_space<vmem>> -> memref<128xi32, #tpu.memory_space<vmem>>
    %dma_wait3A_116 = arith.constant 0 : i32
    %dma_wait3A_117 = arith.constant 0 : i32
    %dma_wait3A_118 = tpu.memref_slice %arg2[%dma_wait3A_116, %dma_wait3A_117] : memref<6912x16xf32, #tpu.memory_space<hbm>> -> memref<6912x16xf32, #tpu.memory_space<hbm>>
    tpu.wait_indirect_dma semaphore(%arg7 : memref<!tpu.dma_semaphore, #tpu.memory_space<semaphore_mem>>) src(%dma_wait3A_118 : memref<6912x16xf32, #tpu.memory_space<hbm>>) dst(%dma_wait3A_112 : memref<128x16xf32, #tpu.memory_space<vmem>>)
    %dma_start3A_119 = arith.constant 5 : i32
    %dma_start3A_120 = arith.constant 5 : i32
    %dma_start3A_121 = arith.constant 0 : i32
    %dma_start3A_122 = arith.constant 0 : i32
    %dma_start3A_123 = tpu.memref_slice %arg6[%dma_start3A_120, %dma_start3A_121, %dma_start3A_122] : memref<11x128x16xf32, #tpu.memory_space<vmem>> -> memref<1x128x16xf32, #tpu.memory_space<vmem>>
    %dma_start3A_124 = tpu.memref_squeeze %dma_start3A_123 : memref<1x128x16xf32, #tpu.memory_space<vmem>> -> memref<128x16xf32, #tpu.memory_space<vmem>>
    %dma_start3A_125 = arith.constant 0 : i32
    %dma_start3A_126 = tpu.memref_slice %arg5[%dma_start3A_119, %dma_start3A_125] : memref<11x128xi32, #tpu.memory_space<vmem>> -> memref<1x128xi32, #tpu.memory_space<vmem>>
    %dma_start3A_127 = tpu.memref_squeeze %dma_start3A_126 : memref<1x128xi32, #tpu.memory_space<vmem>> -> memref<128xi32, #tpu.memory_space<vmem>>
    %dma_start3A_128 = arith.constant 0 : i32
    %dma_start3A_129 = arith.constant 0 : i32
    %dma_start3A_130 = tpu.memref_slice %arg2[%dma_start3A_128, %dma_start3A_129] : memref<6912x16xf32, #tpu.memory_space<hbm>> -> memref<6912x16xf32, #tpu.memory_space<hbm>>
    tpu.enqueue_indirect_dma source(%dma_start3A_130 : memref<6912x16xf32, #tpu.memory_space<hbm>>) target(%dma_start3A_124 : memref<128x16xf32, #tpu.memory_space<vmem>>) offsets(%dma_start3A_127 : memref<128xi32, #tpu.memory_space<vmem>>) semaphore(%arg7 : memref<!tpu.dma_semaphore, #tpu.memory_space<semaphore_mem>>)
    %dma_wait3A_131 = arith.constant 5 : i32
    %dma_wait3A_132 = arith.constant 5 : i32
    %dma_wait3A_133 = arith.constant 0 : i32
    %dma_wait3A_134 = arith.constant 0 : i32
    %dma_wait3A_135 = tpu.memref_slice %arg6[%dma_wait3A_132, %dma_wait3A_133, %dma_wait3A_134] : memref<11x128x16xf32, #tpu.memory_space<vmem>> -> memref<1x128x16xf32, #tpu.memory_space<vmem>>
    %dma_wait3A_136 = tpu.memref_squeeze %dma_wait3A_135 : memref<1x128x16xf32, #tpu.memory_space<vmem>> -> memref<128x16xf32, #tpu.memory_space<vmem>>
    %dma_wait3A_137 = arith.constant 0 : i32
    %dma_wait3A_138 = tpu.memref_slice %arg5[%dma_wait3A_131, %dma_wait3A_137] : memref<11x128xi32, #tpu.memory_space<vmem>> -> memref<1x128xi32, #tpu.memory_space<vmem>>
    %dma_wait3A_139 = tpu.memref_squeeze %dma_wait3A_138 : memref<1x128xi32, #tpu.memory_space<vmem>> -> memref<128xi32, #tpu.memory_space<vmem>>
    %dma_wait3A_140 = arith.constant 0 : i32
    %dma_wait3A_141 = arith.constant 0 : i32
    %dma_wait3A_142 = tpu.memref_slice %arg2[%dma_wait3A_140, %dma_wait3A_141] : memref<6912x16xf32, #tpu.memory_space<hbm>> -> memref<6912x16xf32, #tpu.memory_space<hbm>>
    tpu.wait_indirect_dma semaphore(%arg7 : memref<!tpu.dma_semaphore, #tpu.memory_space<semaphore_mem>>) src(%dma_wait3A_142 : memref<6912x16xf32, #tpu.memory_space<hbm>>) dst(%dma_wait3A_136 : memref<128x16xf32, #tpu.memory_space<vmem>>)
    %dma_start3A_143 = arith.constant 6 : i32
    %dma_start3A_144 = arith.constant 6 : i32
    %dma_start3A_145 = arith.constant 0 : i32
    %dma_start3A_146 = arith.constant 0 : i32
    %dma_start3A_147 = tpu.memref_slice %arg6[%dma_start3A_144, %dma_start3A_145, %dma_start3A_146] : memref<11x128x16xf32, #tpu.memory_space<vmem>> -> memref<1x128x16xf32, #tpu.memory_space<vmem>>
    %dma_start3A_148 = tpu.memref_squeeze %dma_start3A_147 : memref<1x128x16xf32, #tpu.memory_space<vmem>> -> memref<128x16xf32, #tpu.memory_space<vmem>>
    %dma_start3A_149 = arith.constant 0 : i32
    %dma_start3A_150 = tpu.memref_slice %arg5[%dma_start3A_143, %dma_start3A_149] : memref<11x128xi32, #tpu.memory_space<vmem>> -> memref<1x128xi32, #tpu.memory_space<vmem>>
    %dma_start3A_151 = tpu.memref_squeeze %dma_start3A_150 : memref<1x128xi32, #tpu.memory_space<vmem>> -> memref<128xi32, #tpu.memory_space<vmem>>
    %dma_start3A_152 = arith.constant 0 : i32
    %dma_start3A_153 = arith.constant 0 : i32
    %dma_start3A_154 = tpu.memref_slice %arg2[%dma_start3A_152, %dma_start3A_153] : memref<6912x16xf32, #tpu.memory_space<hbm>> -> memref<6912x16xf32, #tpu.memory_space<hbm>>
    tpu.enqueue_indirect_dma source(%dma_start3A_154 : memref<6912x16xf32, #tpu.memory_space<hbm>>) target(%dma_start3A_148 : memref<128x16xf32, #tpu.memory_space<vmem>>) offsets(%dma_start3A_151 : memref<128xi32, #tpu.memory_space<vmem>>) semaphore(%arg7 : memref<!tpu.dma_semaphore, #tpu.memory_space<semaphore_mem>>)
    %dma_wait3A_155 = arith.constant 6 : i32
    %dma_wait3A_156 = arith.constant 6 : i32
    %dma_wait3A_157 = arith.constant 0 : i32
    %dma_wait3A_158 = arith.constant 0 : i32
    %dma_wait3A_159 = tpu.memref_slice %arg6[%dma_wait3A_156, %dma_wait3A_157, %dma_wait3A_158] : memref<11x128x16xf32, #tpu.memory_space<vmem>> -> memref<1x128x16xf32, #tpu.memory_space<vmem>>
    %dma_wait3A_160 = tpu.memref_squeeze %dma_wait3A_159 : memref<1x128x16xf32, #tpu.memory_space<vmem>> -> memref<128x16xf32, #tpu.memory_space<vmem>>
    %dma_wait3A_161 = arith.constant 0 : i32
    %dma_wait3A_162 = tpu.memref_slice %arg5[%dma_wait3A_155, %dma_wait3A_161] : memref<11x128xi32, #tpu.memory_space<vmem>> -> memref<1x128xi32, #tpu.memory_space<vmem>>
    %dma_wait3A_163 = tpu.memref_squeeze %dma_wait3A_162 : memref<1x128xi32, #tpu.memory_space<vmem>> -> memref<128xi32, #tpu.memory_space<vmem>>
    %dma_wait3A_164 = arith.constant 0 : i32
    %dma_wait3A_165 = arith.constant 0 : i32
    %dma_wait3A_166 = tpu.memref_slice %arg2[%dma_wait3A_164, %dma_wait3A_165] : memref<6912x16xf32, #tpu.memory_space<hbm>> -> memref<6912x16xf32, #tpu.memory_space<hbm>>
    tpu.wait_indirect_dma semaphore(%arg7 : memref<!tpu.dma_semaphore, #tpu.memory_space<semaphore_mem>>) src(%dma_wait3A_166 : memref<6912x16xf32, #tpu.memory_space<hbm>>) dst(%dma_wait3A_160 : memref<128x16xf32, #tpu.memory_space<vmem>>)
    %dma_start3A_167 = arith.constant 7 : i32
    %dma_start3A_168 = arith.constant 7 : i32
    %dma_start3A_169 = arith.constant 0 : i32
    %dma_start3A_170 = arith.constant 0 : i32
    %dma_start3A_171 = tpu.memref_slice %arg6[%dma_start3A_168, %dma_start3A_169, %dma_start3A_170] : memref<11x128x16xf32, #tpu.memory_space<vmem>> -> memref<1x128x16xf32, #tpu.memory_space<vmem>>
    %dma_start3A_172 = tpu.memref_squeeze %dma_start3A_171 : memref<1x128x16xf32, #tpu.memory_space<vmem>> -> memref<128x16xf32, #tpu.memory_space<vmem>>
    %dma_start3A_173 = arith.constant 0 : i32
    %dma_start3A_174 = tpu.memref_slice %arg5[%dma_start3A_167, %dma_start3A_173] : memref<11x128xi32, #tpu.memory_space<vmem>> -> memref<1x128xi32, #tpu.memory_space<vmem>>
    %dma_start3A_175 = tpu.memref_squeeze %dma_start3A_174 : memref<1x128xi32, #tpu.memory_space<vmem>> -> memref<128xi32, #tpu.memory_space<vmem>>
    %dma_start3A_176 = arith.constant 0 : i32
    %dma_start3A_177 = arith.constant 0 : i32
    %dma_start3A_178 = tpu.memref_slice %arg2[%dma_start3A_176, %dma_start3A_177] : memref<6912x16xf32, #tpu.memory_space<hbm>> -> memref<6912x16xf32, #tpu.memory_space<hbm>>
    tpu.enqueue_indirect_dma source(%dma_start3A_178 : memref<6912x16xf32, #tpu.memory_space<hbm>>) target(%dma_start3A_172 : memref<128x16xf32, #tpu.memory_space<vmem>>) offsets(%dma_start3A_175 : memref<128xi32, #tpu.memory_space<vmem>>) semaphore(%arg7 : memref<!tpu.dma_semaphore, #tpu.memory_space<semaphore_mem>>)
    %dma_wait3A_179 = arith.constant 7 : i32
    %dma_wait3A_180 = arith.constant 7 : i32
    %dma_wait3A_181 = arith.constant 0 : i32
    %dma_wait3A_182 = arith.constant 0 : i32
    %dma_wait3A_183 = tpu.memref_slice %arg6[%dma_wait3A_180, %dma_wait3A_181, %dma_wait3A_182] : memref<11x128x16xf32, #tpu.memory_space<vmem>> -> memref<1x128x16xf32, #tpu.memory_space<vmem>>
    %dma_wait3A_184 = tpu.memref_squeeze %dma_wait3A_183 : memref<1x128x16xf32, #tpu.memory_space<vmem>> -> memref<128x16xf32, #tpu.memory_space<vmem>>
    %dma_wait3A_185 = arith.constant 0 : i32
    %dma_wait3A_186 = tpu.memref_slice %arg5[%dma_wait3A_179, %dma_wait3A_185] : memref<11x128xi32, #tpu.memory_space<vmem>> -> memref<1x128xi32, #tpu.memory_space<vmem>>
    %dma_wait3A_187 = tpu.memref_squeeze %dma_wait3A_186 : memref<1x128xi32, #tpu.memory_space<vmem>> -> memref<128xi32, #tpu.memory_space<vmem>>
    %dma_wait3A_188 = arith.constant 0 : i32
    %dma_wait3A_189 = arith.constant 0 : i32
    %dma_wait3A_190 = tpu.memref_slice %arg2[%dma_wait3A_188, %dma_wait3A_189] : memref<6912x16xf32, #tpu.memory_space<hbm>> -> memref<6912x16xf32, #tpu.memory_space<hbm>>
    tpu.wait_indirect_dma semaphore(%arg7 : memref<!tpu.dma_semaphore, #tpu.memory_space<semaphore_mem>>) src(%dma_wait3A_190 : memref<6912x16xf32, #tpu.memory_space<hbm>>) dst(%dma_wait3A_184 : memref<128x16xf32, #tpu.memory_space<vmem>>)
    %dma_start3A_191 = arith.constant 8 : i32
    %dma_start3A_192 = arith.constant 8 : i32
    %dma_start3A_193 = arith.constant 0 : i32
    %dma_start3A_194 = arith.constant 0 : i32
    %dma_start3A_195 = tpu.memref_slice %arg6[%dma_start3A_192, %dma_start3A_193, %dma_start3A_194] : memref<11x128x16xf32, #tpu.memory_space<vmem>> -> memref<1x128x16xf32, #tpu.memory_space<vmem>>
    %dma_start3A_196 = tpu.memref_squeeze %dma_start3A_195 : memref<1x128x16xf32, #tpu.memory_space<vmem>> -> memref<128x16xf32, #tpu.memory_space<vmem>>
    %dma_start3A_197 = arith.constant 0 : i32
    %dma_start3A_198 = tpu.memref_slice %arg5[%dma_start3A_191, %dma_start3A_197] : memref<11x128xi32, #tpu.memory_space<vmem>> -> memref<1x128xi32, #tpu.memory_space<vmem>>
    %dma_start3A_199 = tpu.memref_squeeze %dma_start3A_198 : memref<1x128xi32, #tpu.memory_space<vmem>> -> memref<128xi32, #tpu.memory_space<vmem>>
    %dma_start3A_200 = arith.constant 0 : i32
    %dma_start3A_201 = arith.constant 0 : i32
    %dma_start3A_202 = tpu.memref_slice %arg2[%dma_start3A_200, %dma_start3A_201] : memref<6912x16xf32, #tpu.memory_space<hbm>> -> memref<6912x16xf32, #tpu.memory_space<hbm>>
    tpu.enqueue_indirect_dma source(%dma_start3A_202 : memref<6912x16xf32, #tpu.memory_space<hbm>>) target(%dma_start3A_196 : memref<128x16xf32, #tpu.memory_space<vmem>>) offsets(%dma_start3A_199 : memref<128xi32, #tpu.memory_space<vmem>>) semaphore(%arg7 : memref<!tpu.dma_semaphore, #tpu.memory_space<semaphore_mem>>)
    %dma_wait3A_203 = arith.constant 8 : i32
    %dma_wait3A_204 = arith.constant 8 : i32
    %dma_wait3A_205 = arith.constant 0 : i32
    %dma_wait3A_206 = arith.constant 0 : i32
    %dma_wait3A_207 = tpu.memref_slice %arg6[%dma_wait3A_204, %dma_wait3A_205, %dma_wait3A_206] : memref<11x128x16xf32, #tpu.memory_space<vmem>> -> memref<1x128x16xf32, #tpu.memory_space<vmem>>
    %dma_wait3A_208 = tpu.memref_squeeze %dma_wait3A_207 : memref<1x128x16xf32, #tpu.memory_space<vmem>> -> memref<128x16xf32, #tpu.memory_space<vmem>>
    %dma_wait3A_209 = arith.constant 0 : i32
    %dma_wait3A_210 = tpu.memref_slice %arg5[%dma_wait3A_203, %dma_wait3A_209] : memref<11x128xi32, #tpu.memory_space<vmem>> -> memref<1x128xi32, #tpu.memory_space<vmem>>
    %dma_wait3A_211 = tpu.memref_squeeze %dma_wait3A_210 : memref<1x128xi32, #tpu.memory_space<vmem>> -> memref<128xi32, #tpu.memory_space<vmem>>
    %dma_wait3A_212 = arith.constant 0 : i32
    %dma_wait3A_213 = arith.constant 0 : i32
    %dma_wait3A_214 = tpu.memref_slice %arg2[%dma_wait3A_212, %dma_wait3A_213] : memref<6912x16xf32, #tpu.memory_space<hbm>> -> memref<6912x16xf32, #tpu.memory_space<hbm>>
    tpu.wait_indirect_dma semaphore(%arg7 : memref<!tpu.dma_semaphore, #tpu.memory_space<semaphore_mem>>) src(%dma_wait3A_214 : memref<6912x16xf32, #tpu.memory_space<hbm>>) dst(%dma_wait3A_208 : memref<128x16xf32, #tpu.memory_space<vmem>>)
    %dma_start3A_215 = arith.constant 9 : i32
    %dma_start3A_216 = arith.constant 9 : i32
    %dma_start3A_217 = arith.constant 0 : i32
    %dma_start3A_218 = arith.constant 0 : i32
    %dma_start3A_219 = tpu.memref_slice %arg6[%dma_start3A_216, %dma_start3A_217, %dma_start3A_218] : memref<11x128x16xf32, #tpu.memory_space<vmem>> -> memref<1x128x16xf32, #tpu.memory_space<vmem>>
    %dma_start3A_220 = tpu.memref_squeeze %dma_start3A_219 : memref<1x128x16xf32, #tpu.memory_space<vmem>> -> memref<128x16xf32, #tpu.memory_space<vmem>>
    %dma_start3A_221 = arith.constant 0 : i32
    %dma_start3A_222 = tpu.memref_slice %arg5[%dma_start3A_215, %dma_start3A_221] : memref<11x128xi32, #tpu.memory_space<vmem>> -> memref<1x128xi32, #tpu.memory_space<vmem>>
    %dma_start3A_223 = tpu.memref_squeeze %dma_start3A_222 : memref<1x128xi32, #tpu.memory_space<vmem>> -> memref<128xi32, #tpu.memory_space<vmem>>
    %dma_start3A_224 = arith.constant 0 : i32
    %dma_start3A_225 = arith.constant 0 : i32
    %dma_start3A_226 = tpu.memref_slice %arg2[%dma_start3A_224, %dma_start3A_225] : memref<6912x16xf32, #tpu.memory_space<hbm>> -> memref<6912x16xf32, #tpu.memory_space<hbm>>
    tpu.enqueue_indirect_dma source(%dma_start3A_226 : memref<6912x16xf32, #tpu.memory_space<hbm>>) target(%dma_start3A_220 : memref<128x16xf32, #tpu.memory_space<vmem>>) offsets(%dma_start3A_223 : memref<128xi32, #tpu.memory_space<vmem>>) semaphore(%arg7 : memref<!tpu.dma_semaphore, #tpu.memory_space<semaphore_mem>>)
    %dma_wait3A_227 = arith.constant 9 : i32
    %dma_wait3A_228 = arith.constant 9 : i32
    %dma_wait3A_229 = arith.constant 0 : i32
    %dma_wait3A_230 = arith.constant 0 : i32
    %dma_wait3A_231 = tpu.memref_slice %arg6[%dma_wait3A_228, %dma_wait3A_229, %dma_wait3A_230] : memref<11x128x16xf32, #tpu.memory_space<vmem>> -> memref<1x128x16xf32, #tpu.memory_space<vmem>>
    %dma_wait3A_232 = tpu.memref_squeeze %dma_wait3A_231 : memref<1x128x16xf32, #tpu.memory_space<vmem>> -> memref<128x16xf32, #tpu.memory_space<vmem>>
    %dma_wait3A_233 = arith.constant 0 : i32
    %dma_wait3A_234 = tpu.memref_slice %arg5[%dma_wait3A_227, %dma_wait3A_233] : memref<11x128xi32, #tpu.memory_space<vmem>> -> memref<1x128xi32, #tpu.memory_space<vmem>>
    %dma_wait3A_235 = tpu.memref_squeeze %dma_wait3A_234 : memref<1x128xi32, #tpu.memory_space<vmem>> -> memref<128xi32, #tpu.memory_space<vmem>>
    %dma_wait3A_236 = arith.constant 0 : i32
    %dma_wait3A_237 = arith.constant 0 : i32
    %dma_wait3A_238 = tpu.memref_slice %arg2[%dma_wait3A_236, %dma_wait3A_237] : memref<6912x16xf32, #tpu.memory_space<hbm>> -> memref<6912x16xf32, #tpu.memory_space<hbm>>
    tpu.wait_indirect_dma semaphore(%arg7 : memref<!tpu.dma_semaphore, #tpu.memory_space<semaphore_mem>>) src(%dma_wait3A_238 : memref<6912x16xf32, #tpu.memory_space<hbm>>) dst(%dma_wait3A_232 : memref<128x16xf32, #tpu.memory_space<vmem>>)
    %dma_start3A_239 = arith.constant 10 : i32
    %dma_start3A_240 = arith.constant 10 : i32
    %dma_start3A_241 = arith.constant 0 : i32
    %dma_start3A_242 = arith.constant 0 : i32
    %dma_start3A_243 = tpu.memref_slice %arg6[%dma_start3A_240, %dma_start3A_241, %dma_start3A_242] : memref<11x128x16xf32, #tpu.memory_space<vmem>> -> memref<1x128x16xf32, #tpu.memory_space<vmem>>
    %dma_start3A_244 = tpu.memref_squeeze %dma_start3A_243 : memref<1x128x16xf32, #tpu.memory_space<vmem>> -> memref<128x16xf32, #tpu.memory_space<vmem>>
    %dma_start3A_245 = arith.constant 0 : i32
    %dma_start3A_246 = tpu.memref_slice %arg5[%dma_start3A_239, %dma_start3A_245] : memref<11x128xi32, #tpu.memory_space<vmem>> -> memref<1x128xi32, #tpu.memory_space<vmem>>
    %dma_start3A_247 = tpu.memref_squeeze %dma_start3A_246 : memref<1x128xi32, #tpu.memory_space<vmem>> -> memref<128xi32, #tpu.memory_space<vmem>>
    %dma_start3A_248 = arith.constant 0 : i32
    %dma_start3A_249 = arith.constant 0 : i32
    %dma_start3A_250 = tpu.memref_slice %arg2[%dma_start3A_248, %dma_start3A_249] : memref<6912x16xf32, #tpu.memory_space<hbm>> -> memref<6912x16xf32, #tpu.memory_space<hbm>>
    tpu.enqueue_indirect_dma source(%dma_start3A_250 : memref<6912x16xf32, #tpu.memory_space<hbm>>) target(%dma_start3A_244 : memref<128x16xf32, #tpu.memory_space<vmem>>) offsets(%dma_start3A_247 : memref<128xi32, #tpu.memory_space<vmem>>) semaphore(%arg7 : memref<!tpu.dma_semaphore, #tpu.memory_space<semaphore_mem>>)
    %dma_wait3A_251 = arith.constant 10 : i32
    %dma_wait3A_252 = arith.constant 10 : i32
    %dma_wait3A_253 = arith.constant 0 : i32
    %dma_wait3A_254 = arith.constant 0 : i32
    %dma_wait3A_255 = tpu.memref_slice %arg6[%dma_wait3A_252, %dma_wait3A_253, %dma_wait3A_254] : memref<11x128x16xf32, #tpu.memory_space<vmem>> -> memref<1x128x16xf32, #tpu.memory_space<vmem>>
    %dma_wait3A_256 = tpu.memref_squeeze %dma_wait3A_255 : memref<1x128x16xf32, #tpu.memory_space<vmem>> -> memref<128x16xf32, #tpu.memory_space<vmem>>
    %dma_wait3A_257 = arith.constant 0 : i32
    %dma_wait3A_258 = tpu.memref_slice %arg5[%dma_wait3A_251, %dma_wait3A_257] : memref<11x128xi32, #tpu.memory_space<vmem>> -> memref<1x128xi32, #tpu.memory_space<vmem>>
    %dma_wait3A_259 = tpu.memref_squeeze %dma_wait3A_258 : memref<1x128xi32, #tpu.memory_space<vmem>> -> memref<128xi32, #tpu.memory_space<vmem>>
    %dma_wait3A_260 = arith.constant 0 : i32
    %dma_wait3A_261 = arith.constant 0 : i32
    %dma_wait3A_262 = tpu.memref_slice %arg2[%dma_wait3A_260, %dma_wait3A_261] : memref<6912x16xf32, #tpu.memory_space<hbm>> -> memref<6912x16xf32, #tpu.memory_space<hbm>>
    tpu.wait_indirect_dma semaphore(%arg7 : memref<!tpu.dma_semaphore, #tpu.memory_space<semaphore_mem>>) src(%dma_wait3A_262 : memref<6912x16xf32, #tpu.memory_space<hbm>>) dst(%dma_wait3A_256 : memref<128x16xf32, #tpu.memory_space<vmem>>)
    "tpu.region"() ({
      %run_scoped3A = tpu.sem_alloc : memref<!tpu.dma_semaphore, #tpu.memory_space<semaphore_mem>>
      %dma_start3A_263 = arith.constant 0 : i32
      %dma_start3A_264 = arith.constant 0 : i32
      %dma_start3A_265 = arith.constant 0 : i32
      %dma_start3A_266 = tpu.memref_slice %arg4[%add3A, %dma_start3A_263, %dma_start3A_264, %dma_start3A_265] : memref<32x11x128x16xf32, #tpu.memory_space<hbm>> -> memref<1x11x128x16xf32, #tpu.memory_space<hbm>>
      %dma_start3A_267 = tpu.memref_squeeze %dma_start3A_266 : memref<1x11x128x16xf32, #tpu.memory_space<hbm>> -> memref<11x128x16xf32, #tpu.memory_space<hbm>>
      %dma_start3A_268 = arith.constant 0 : i32
      %dma_start3A_269 = arith.constant 0 : i32
      %dma_start3A_270 = arith.constant 0 : i32
      %dma_start3A_271 = tpu.memref_slice %arg4[%add3A, %dma_start3A_268, %dma_start3A_269, %dma_start3A_270] : memref<32x11x128x16xf32, #tpu.memory_space<hbm>> -> memref<1x11x128x16xf32, #tpu.memory_space<hbm>>
      %dma_start3A_272 = tpu.memref_squeeze %dma_start3A_271 : memref<1x11x128x16xf32, #tpu.memory_space<hbm>> -> memref<11x128x16xf32, #tpu.memory_space<hbm>>
      tpu.enqueue_dma source(%arg6 : memref<11x128x16xf32, #tpu.memory_space<vmem>>) target(%dma_start3A_272 : memref<11x128x16xf32, #tpu.memory_space<hbm>>) target_semaphore(%run_scoped3A : memref<!tpu.dma_semaphore, #tpu.memory_space<semaphore_mem>>)
      %dma_wait3A_273 = arith.constant 0 : i32
      %dma_wait3A_274 = arith.constant 0 : i32
      %dma_wait3A_275 = arith.constant 0 : i32
      %dma_wait3A_276 = tpu.memref_slice %arg4[%add3A, %dma_wait3A_273, %dma_wait3A_274, %dma_wait3A_275] : memref<32x11x128x16xf32, #tpu.memory_space<hbm>> -> memref<1x11x128x16xf32, #tpu.memory_space<hbm>>
      %dma_wait3A_277 = tpu.memref_squeeze %dma_wait3A_276 : memref<1x11x128x16xf32, #tpu.memory_space<hbm>> -> memref<11x128x16xf32, #tpu.memory_space<hbm>>
      %dma_wait3A_278 = arith.constant 0 : i32
      %dma_wait3A_279 = arith.constant 0 : i32
      %dma_wait3A_280 = arith.constant 0 : i32
      %dma_wait3A_281 = tpu.memref_slice %arg4[%add3A, %dma_wait3A_278, %dma_wait3A_279, %dma_wait3A_280] : memref<32x11x128x16xf32, #tpu.memory_space<hbm>> -> memref<1x11x128x16xf32, #tpu.memory_space<hbm>>
      %dma_wait3A_282 = tpu.memref_squeeze %dma_wait3A_281 : memref<1x11x128x16xf32, #tpu.memory_space<hbm>> -> memref<11x128x16xf32, #tpu.memory_space<hbm>>
      tpu.wait_dma2 semaphore(%run_scoped3A : memref<!tpu.dma_semaphore, #tpu.memory_space<semaphore_mem>>) src(%arg6 : memref<11x128x16xf32, #tpu.memory_space<vmem>>) dst(%dma_wait3A_282 : memref<11x128x16xf32, #tpu.memory_space<hbm>>)
      tpu.yield
    }) : () -> ()
    return
  }
}

module attributes {stable_mosaic.version = 14 : i64} {
  func.func @_face_prep_kernel(%arg0: i32, %arg1: memref<512x16xf32, #tpu.memory_space<vmem>>, %arg2: memref<512x16xf32, #tpu.memory_space<vmem>>, %arg3: memref<512x16xf32, #tpu.memory_space<vmem>>, %arg4: memref<512x16xf32, #tpu.memory_space<vmem>>) attributes {dimension_semantics = [#tpu.dimension_semantics<arbitrary>], iteration_bounds = array<i64: 27>, scalar_prefetch = 0 : i64, scratch_operands = 0 : i64, tpu.core_type = #tpu.core_type<tc>, window_params = [{transform_indices = @transform_0, window_bounds = array<i64: 512, 16>}, {transform_indices = @transform_1, window_bounds = array<i64: 512, 16>}, {transform_indices = @transform_2, window_bounds = array<i64: 512, 16>}, {transform_indices = @transform_3, window_bounds = array<i64: 512, 16>}]} {
    %get3A = arith.constant 0 : index
    %get3A_0 = arith.constant 0 : index
    %get3A_1 = vector.load %arg1[%get3A, %get3A_0] : memref<512x16xf32, #tpu.memory_space<vmem>>, vector<512x16xf32>
    %get3A_2 = arith.constant 0 : index
    %get3A_3 = arith.constant 0 : index
    %get3A_4 = vector.load %arg2[%get3A_2, %get3A_3] : memref<512x16xf32, #tpu.memory_space<vmem>>, vector<512x16xf32>
    %get3A_5 = arith.constant 0 : index
    %get3A_6 = arith.constant 0 : index
    %get3A_7 = vector.load %arg3[%get3A_5, %get3A_6] : memref<512x16xf32, #tpu.memory_space<vmem>>, vector<512x16xf32>
    %slice3A = vector.extract_strided_slice %get3A_1 {offsets = [0, 0], sizes = [512, 3], strides = [1, 1]} : vector<512x16xf32> to vector<512x3xf32>
    %slice3A_8 = vector.extract_strided_slice %get3A_4 {offsets = [0, 0], sizes = [512, 3], strides = [1, 1]} : vector<512x16xf32> to vector<512x3xf32>
    %slice3A_9 = vector.extract_strided_slice %get3A_7 {offsets = [0, 0], sizes = [512, 3], strides = [1, 1]} : vector<512x16xf32> to vector<512x3xf32>
    %slice3A_10 = vector.extract_strided_slice %get3A_1 {offsets = [0, 3], sizes = [512, 3], strides = [1, 1]} : vector<512x16xf32> to vector<512x3xf32>
    %slice3A_11 = vector.extract_strided_slice %get3A_4 {offsets = [0, 3], sizes = [512, 3], strides = [1, 1]} : vector<512x16xf32> to vector<512x3xf32>
    %slice3A_12 = vector.extract_strided_slice %get3A_7 {offsets = [0, 3], sizes = [512, 3], strides = [1, 1]} : vector<512x16xf32> to vector<512x3xf32>
    %add3A = arith.addf %slice3A_10, %slice3A_11 : vector<512x3xf32>
    %add3A_13 = arith.addf %add3A, %slice3A_12 : vector<512x3xf32>
    %div3A = arith.constant 3.000000e+00 : f32
    %div3A_14 = vector.broadcast %div3A : f32 to vector<512x3xf32>
    %div3A_15 = arith.divf %add3A_13, %div3A_14 : vector<512x3xf32>
    %add3A_16 = arith.addf %slice3A, %slice3A_8 : vector<512x3xf32>
    %add3A_17 = arith.addf %add3A_16, %slice3A_9 : vector<512x3xf32>
    %div3A_18 = arith.constant 3.000000e+00 : f32
    %div3A_19 = vector.broadcast %div3A_18 : f32 to vector<512x3xf32>
    %div3A_20 = arith.divf %add3A_17, %div3A_19 : vector<512x3xf32>
    %sub3A = arith.subf %slice3A_8, %slice3A : vector<512x3xf32>
    %sub3A_21 = arith.subf %slice3A_9, %slice3A : vector<512x3xf32>
    %slice3A_22 = vector.extract_strided_slice %sub3A {offsets = [0, 1], sizes = [512, 1], strides = [1, 1]} : vector<512x3xf32> to vector<512x1xf32>
    %slice3A_23 = vector.extract_strided_slice %sub3A_21 {offsets = [0, 2], sizes = [512, 1], strides = [1, 1]} : vector<512x3xf32> to vector<512x1xf32>
    %mul3A = arith.mulf %slice3A_22, %slice3A_23 : vector<512x1xf32>
    %slice3A_24 = vector.extract_strided_slice %sub3A {offsets = [0, 2], sizes = [512, 1], strides = [1, 1]} : vector<512x3xf32> to vector<512x1xf32>
    %slice3A_25 = vector.extract_strided_slice %sub3A_21 {offsets = [0, 1], sizes = [512, 1], strides = [1, 1]} : vector<512x3xf32> to vector<512x1xf32>
    %mul3A_26 = arith.mulf %slice3A_24, %slice3A_25 : vector<512x1xf32>
    %sub3A_27 = arith.subf %mul3A, %mul3A_26 : vector<512x1xf32>
    %slice3A_28 = vector.extract_strided_slice %sub3A {offsets = [0, 2], sizes = [512, 1], strides = [1, 1]} : vector<512x3xf32> to vector<512x1xf32>
    %slice3A_29 = vector.extract_strided_slice %sub3A_21 {offsets = [0, 0], sizes = [512, 1], strides = [1, 1]} : vector<512x3xf32> to vector<512x1xf32>
    %mul3A_30 = arith.mulf %slice3A_28, %slice3A_29 : vector<512x1xf32>
    %slice3A_31 = vector.extract_strided_slice %sub3A {offsets = [0, 0], sizes = [512, 1], strides = [1, 1]} : vector<512x3xf32> to vector<512x1xf32>
    %slice3A_32 = vector.extract_strided_slice %sub3A_21 {offsets = [0, 2], sizes = [512, 1], strides = [1, 1]} : vector<512x3xf32> to vector<512x1xf32>
    %mul3A_33 = arith.mulf %slice3A_31, %slice3A_32 : vector<512x1xf32>
    %sub3A_34 = arith.subf %mul3A_30, %mul3A_33 : vector<512x1xf32>
    %slice3A_35 = vector.extract_strided_slice %sub3A {offsets = [0, 0], sizes = [512, 1], strides = [1, 1]} : vector<512x3xf32> to vector<512x1xf32>
    %slice3A_36 = vector.extract_strided_slice %sub3A_21 {offsets = [0, 1], sizes = [512, 1], strides = [1, 1]} : vector<512x3xf32> to vector<512x1xf32>
    %mul3A_37 = arith.mulf %slice3A_35, %slice3A_36 : vector<512x1xf32>
    %slice3A_38 = vector.extract_strided_slice %sub3A {offsets = [0, 1], sizes = [512, 1], strides = [1, 1]} : vector<512x3xf32> to vector<512x1xf32>
    %slice3A_39 = vector.extract_strided_slice %sub3A_21 {offsets = [0, 0], sizes = [512, 1], strides = [1, 1]} : vector<512x3xf32> to vector<512x1xf32>
    %mul3A_40 = arith.mulf %slice3A_38, %slice3A_39 : vector<512x1xf32>
    %sub3A_41 = arith.subf %mul3A_37, %mul3A_40 : vector<512x1xf32>
    %mul3A_42 = arith.mulf %sub3A_27, %sub3A_27 : vector<512x1xf32>
    %mul3A_43 = arith.mulf %sub3A_34, %sub3A_34 : vector<512x1xf32>
    %add3A_44 = arith.addf %mul3A_42, %mul3A_43 : vector<512x1xf32>
    %mul3A_45 = arith.mulf %sub3A_41, %sub3A_41 : vector<512x1xf32>
    %add3A_46 = arith.addf %add3A_44, %mul3A_45 : vector<512x1xf32>
    %sqrt3A = math.sqrt %add3A_46 : vector<512x1xf32>
    %add3A_47 = arith.constant 1.000000e-07 : f32
    %add3A_48 = vector.broadcast %add3A_47 : f32 to vector<512x1xf32>
    %add3A_49 = arith.addf %sqrt3A, %add3A_48 : vector<512x1xf32>
    %div3A_50 = arith.constant 1.000000e+00 : f32
    %div3A_51 = vector.broadcast %div3A_50 : f32 to vector<512x1xf32>
    %div3A_52 = arith.divf %div3A_51, %add3A_49 : vector<512x1xf32>
    %concatenate3A = tpu.concatenate %sub3A_27, %sub3A_34, %sub3A_41 in 1 : vector<512x1xf32>, vector<512x1xf32>, vector<512x1xf32> -> vector<512x3xf32>
    %mul3A_53 = vector.broadcast %div3A_52 : vector<512x1xf32> to vector<512x3xf32>
    %mul3A_54 = arith.mulf %concatenate3A, %mul3A_53 : vector<512x3xf32>
    %mul3A_55 = arith.mulf %div3A_20, %mul3A_54 : vector<512x3xf32>
    %reduce_sum3A = arith.constant dense<0.000000e+00> : vector<512xf32>
    %reduce_sum3A_56 = vector.multi_reduction <add>, %mul3A_55, %reduce_sum3A [1] : vector<512x3xf32> to vector<512xf32>
    %broadcast_in_dim3A = vector.shape_cast %reduce_sum3A_56 : vector<512xf32> to vector<512x1xf32>
    %mul3A_57 = arith.mulf %div3A_15, %div3A_15 : vector<512x3xf32>
    %reduce_sum3A_58 = arith.constant dense<0.000000e+00> : vector<512xf32>
    %reduce_sum3A_59 = vector.multi_reduction <add>, %mul3A_57, %reduce_sum3A_58 [1] : vector<512x3xf32> to vector<512xf32>
    %broadcast_in_dim3A_60 = vector.shape_cast %reduce_sum3A_59 : vector<512xf32> to vector<512x1xf32>
    %iota3A = tpu.iota {dimensions = array<i32: 0>} : vector<512x1xi32>
    %mul3A_61 = arith.constant 512 : i32
    %mul3A_62 = arith.muli %arg0, %mul3A_61 : i32
    %add3A_63 = vector.broadcast %mul3A_62 : i32 to vector<512x1xi32>
    %add3A_64 = arith.addi %iota3A, %add3A_63 : vector<512x1xi32>
    %lt3A = arith.constant 13776 : i32
    %lt3A_65 = vector.broadcast %lt3A : i32 to vector<512x1xi32>
    %lt3A_66 = arith.cmpi slt, %add3A_64, %lt3A_65 : vector<512x1xi32>
    %jit3A = arith.constant 1.000000e+30 : f32
    %broadcast_in_dim3A_67 = vector.broadcast %jit3A : f32 to vector<512x1xf32>
    %select_n3A = arith.select %lt3A_66, %broadcast_in_dim3A_60, %broadcast_in_dim3A_67 : vector<512x1xi1>, vector<512x1xf32>
    %broadcast_in_dim3A_68 = arith.constant 1.000000e+00 : f32
    %broadcast_in_dim3A_69 = vector.broadcast %broadcast_in_dim3A_68 : f32 to vector<512x1xf32>
    %broadcast_in_dim3A_70 = arith.constant 0.000000e+00 : f32
    %broadcast_in_dim3A_71 = vector.broadcast %broadcast_in_dim3A_70 : f32 to vector<512x3xf32>
    %broadcast_in_dim3A_72 = arith.constant 0.000000e+00 : f32
    %broadcast_in_dim3A_73 = vector.broadcast %broadcast_in_dim3A_72 : f32 to vector<512x4xf32>
    %add3A_74 = arith.constant 2.000000e-03 : f32
    %add3A_75 = vector.broadcast %add3A_74 : f32 to vector<512x1xf32>
    %add3A_76 = arith.addf %broadcast_in_dim3A, %add3A_75 : vector<512x1xf32>
    %concatenate3A_77 = tpu.concatenate %div3A_15, %select_n3A, %broadcast_in_dim3A_69, %broadcast_in_dim3A_71, %mul3A_54, %add3A_76, %broadcast_in_dim3A_73 in 1 : vector<512x3xf32>, vector<512x1xf32>, vector<512x1xf32>, vector<512x3xf32>, vector<512x3xf32>, vector<512x1xf32>, vector<512x4xf32> -> vector<512x16xf32>
    %swap3A = arith.constant 0 : index
    %swap3A_78 = arith.constant 0 : index
    %swap3A_79 = vector.load %arg4[%swap3A, %swap3A_78] : memref<512x16xf32, #tpu.memory_space<vmem>>, vector<512x16xf32>
    tpu.vector_store %arg4[%swap3A, %swap3A_78], %concatenate3A_77 {strides = array<i32>} : memref<512x16xf32, #tpu.memory_space<vmem>>, vector<512x16xf32>,
    return
  }
  func.func @transform_0(%arg0: i32) -> (i32, i32) {
    %c0_i32 = arith.constant 0 : i32
    %c0_i32_0 = arith.constant 0 : i32
    return %arg0, %c0_i32 : i32, i32
  }
  func.func @transform_1(%arg0: i32) -> (i32, i32) {
    %c0_i32 = arith.constant 0 : i32
    %c0_i32_0 = arith.constant 0 : i32
    return %arg0, %c0_i32 : i32, i32
  }
  func.func @transform_2(%arg0: i32) -> (i32, i32) {
    %c0_i32 = arith.constant 0 : i32
    %c0_i32_0 = arith.constant 0 : i32
    return %arg0, %c0_i32 : i32, i32
  }
  func.func @transform_3(%arg0: i32) -> (i32, i32) {
    %c0_i32 = arith.constant 0 : i32
    %c0_i32_0 = arith.constant 0 : i32
    return %arg0, %c0_i32 : i32, i32
  }
}

module attributes {stable_mosaic.version = 14 : i64} {
  func.func @_knn_kernel(%arg0: i32, %arg1: memref<512x8xf32, #tpu.memory_space<vmem>>, %arg2: memref<512x8xf32, #tpu.memory_space<vmem>>, %arg3: memref<13824x16xf32, #tpu.memory_space<vmem>>, %arg4: memref<16x13824xf32, #tpu.memory_space<vmem>>, %arg5: memref<1x1xf32, #tpu.memory_space<vmem>>) attributes {dimension_semantics = [#tpu.dimension_semantics<arbitrary>], iteration_bounds = array<i64: 32>, scalar_prefetch = 0 : i64, scratch_operands = 0 : i64, tpu.core_type = #tpu.core_type<tc>, window_params = [{transform_indices = @transform_0, window_bounds = array<i64: 512, 8>}, {transform_indices = @transform_1, window_bounds = array<i64: 512, 8>}, {pipeline_mode = #tpu.pipeline_mode<synchronous>, transform_indices = @transform_2, window_bounds = array<i64: 13824, 16>}, {pipeline_mode = #tpu.pipeline_mode<synchronous>, transform_indices = @transform_3, window_bounds = array<i64: 16, 13824>}, {pipeline_mode = #tpu.pipeline_mode<synchronous>, transform_indices = @transform_4, window_bounds = array<i64: 1, 1>}]} {
    %get3A = arith.constant 0 : index
    %get3A_0 = arith.constant 0 : index
    %get3A_1 = vector.load %arg1[%get3A, %get3A_0] : memref<512x8xf32, #tpu.memory_space<vmem>>, vector<512x8xf32>
    %get3A_2 = arith.constant 0 : index
    %get3A_3 = arith.constant 0 : index
    %get3A_4 = vector.load %arg2[%get3A_2, %get3A_3] : memref<512x8xf32, #tpu.memory_space<vmem>>, vector<512x8xf32>
    %get3A_5 = arith.constant 0 : index
    %get3A_6 = arith.constant 0 : index
    %get3A_7 = vector.load %arg3[%get3A_5, %get3A_6] : memref<13824x16xf32, #tpu.memory_space<vmem>>, vector<13824x16xf32>
    %get3A_8 = arith.constant 0 : index
    %get3A_9 = arith.constant 0 : index
    %get3A_10 = vector.load %arg4[%get3A_8, %get3A_9] : memref<16x13824xf32, #tpu.memory_space<vmem>>, vector<16x13824xf32>
    %slice3A = vector.extract_strided_slice %get3A_7 {offsets = [0, 8], sizes = [13824, 8], strides = [1, 1]} : vector<13824x16xf32> to vector<13824x8xf32>
    %slice3A_11 = vector.extract_strided_slice %get3A_10 {offsets = [3, 0], sizes = [1, 13824], strides = [1, 1]} : vector<16x13824xf32> to vector<1x13824xf32>
    %slice3A_12 = vector.extract_strided_slice %get3A_1 {offsets = [0, 0], sizes = [512, 1], strides = [1, 1]} : vector<512x8xf32> to vector<512x1xf32>
    %slice3A_13 = vector.extract_strided_slice %get3A_10 {offsets = [0, 0], sizes = [1, 13824], strides = [1, 1]} : vector<16x13824xf32> to vector<1x13824xf32>
    %mul3A = vector.broadcast %slice3A_12 : vector<512x1xf32> to vector<512x13824xf32>
    %mul3A_14 = vector.broadcast %slice3A_13 : vector<1x13824xf32> to vector<512x13824xf32>
    %mul3A_15 = arith.mulf %mul3A, %mul3A_14 : vector<512x13824xf32>
    %add3A = vector.broadcast %slice3A_11 : vector<1x13824xf32> to vector<512x13824xf32>
    %add3A_16 = arith.addf %add3A, %mul3A_15 : vector<512x13824xf32>
    %slice3A_17 = vector.extract_strided_slice %get3A_1 {offsets = [0, 1], sizes = [512, 1], strides = [1, 1]} : vector<512x8xf32> to vector<512x1xf32>
    %slice3A_18 = vector.extract_strided_slice %get3A_10 {offsets = [1, 0], sizes = [1, 13824], strides = [1, 1]} : vector<16x13824xf32> to vector<1x13824xf32>
    %mul3A_19 = vector.broadcast %slice3A_17 : vector<512x1xf32> to vector<512x13824xf32>
    %mul3A_20 = vector.broadcast %slice3A_18 : vector<1x13824xf32> to vector<512x13824xf32>
    %mul3A_21 = arith.mulf %mul3A_19, %mul3A_20 : vector<512x13824xf32>
    %add3A_22 = arith.addf %add3A_16, %mul3A_21 : vector<512x13824xf32>
    %slice3A_23 = vector.extract_strided_slice %get3A_1 {offsets = [0, 2], sizes = [512, 1], strides = [1, 1]} : vector<512x8xf32> to vector<512x1xf32>
    %slice3A_24 = vector.extract_strided_slice %get3A_10 {offsets = [2, 0], sizes = [1, 13824], strides = [1, 1]} : vector<16x13824xf32> to vector<1x13824xf32>
    %mul3A_25 = vector.broadcast %slice3A_23 : vector<512x1xf32> to vector<512x13824xf32>
    %mul3A_26 = vector.broadcast %slice3A_24 : vector<1x13824xf32> to vector<512x13824xf32>
    %mul3A_27 = arith.mulf %mul3A_25, %mul3A_26 : vector<512x13824xf32>
    %add3A_28 = arith.addf %add3A_22, %mul3A_27 : vector<512x13824xf32>
    %dot_general3A = arith.constant dense<0.000000e+00> : vector<512x13824xf32>
    %dot_general3A_29 = tpu.matmul %get3A_4, %slice3A, %dot_general3A {dimension_numbers = #tpu.dot_dimension_numbers<[1], [1], [0], [0], [0, 0, 1, 0], [], []>, transpose_lhs_hint = false} : vector<512x8xf32>, vector<13824x8xf32>, vector<512x13824xf32> -> vector<512x13824xf32>
    %slice3A_30 = vector.extract_strided_slice %add3A_28 {offsets = [0, 0], sizes = [512, 512], strides = [1, 1]} : vector<512x13824xf32> to vector<512x512xf32>
    %slice3A_31 = vector.extract_strided_slice %add3A_28 {offsets = [0, 512], sizes = [512, 512], strides = [1, 1]} : vector<512x13824xf32> to vector<512x512xf32>
    %slice3A_32 = vector.extract_strided_slice %add3A_28 {offsets = [0, 1024], sizes = [512, 512], strides = [1, 1]} : vector<512x13824xf32> to vector<512x512xf32>
    %slice3A_33 = vector.extract_strided_slice %add3A_28 {offsets = [0, 1536], sizes = [512, 512], strides = [1, 1]} : vector<512x13824xf32> to vector<512x512xf32>
    %slice3A_34 = vector.extract_strided_slice %add3A_28 {offsets = [0, 2048], sizes = [512, 512], strides = [1, 1]} : vector<512x13824xf32> to vector<512x512xf32>
    %slice3A_35 = vector.extract_strided_slice %add3A_28 {offsets = [0, 2560], sizes = [512, 512], strides = [1, 1]} : vector<512x13824xf32> to vector<512x512xf32>
    %slice3A_36 = vector.extract_strided_slice %add3A_28 {offsets = [0, 3072], sizes = [512, 512], strides = [1, 1]} : vector<512x13824xf32> to vector<512x512xf32>
    %slice3A_37 = vector.extract_strided_slice %add3A_28 {offsets = [0, 3584], sizes = [512, 512], strides = [1, 1]} : vector<512x13824xf32> to vector<512x512xf32>
    %slice3A_38 = vector.extract_strided_slice %add3A_28 {offsets = [0, 4096], sizes = [512, 512], strides = [1, 1]} : vector<512x13824xf32> to vector<512x512xf32>
    %slice3A_39 = vector.extract_strided_slice %add3A_28 {offsets = [0, 4608], sizes = [512, 512], strides = [1, 1]} : vector<512x13824xf32> to vector<512x512xf32>
    %slice3A_40 = vector.extract_strided_slice %add3A_28 {offsets = [0, 5120], sizes = [512, 512], strides = [1, 1]} : vector<512x13824xf32> to vector<512x512xf32>
    %slice3A_41 = vector.extract_strided_slice %add3A_28 {offsets = [0, 5632], sizes = [512, 512], strides = [1, 1]} : vector<512x13824xf32> to vector<512x512xf32>
    %slice3A_42 = vector.extract_strided_slice %add3A_28 {offsets = [0, 6144], sizes = [512, 512], strides = [1, 1]} : vector<512x13824xf32> to vector<512x512xf32>
    %slice3A_43 = vector.extract_strided_slice %add3A_28 {offsets = [0, 6656], sizes = [512, 512], strides = [1, 1]} : vector<512x13824xf32> to vector<512x512xf32>
    %slice3A_44 = vector.extract_strided_slice %add3A_28 {offsets = [0, 7168], sizes = [512, 512], strides = [1, 1]} : vector<512x13824xf32> to vector<512x512xf32>
    %slice3A_45 = vector.extract_strided_slice %add3A_28 {offsets = [0, 7680], sizes = [512, 512], strides = [1, 1]} : vector<512x13824xf32> to vector<512x512xf32>
    %slice3A_46 = vector.extract_strided_slice %add3A_28 {offsets = [0, 8192], sizes = [512, 512], strides = [1, 1]} : vector<512x13824xf32> to vector<512x512xf32>
    %slice3A_47 = vector.extract_strided_slice %add3A_28 {offsets = [0, 8704], sizes = [512, 512], strides = [1, 1]} : vector<512x13824xf32> to vector<512x512xf32>
    %slice3A_48 = vector.extract_strided_slice %add3A_28 {offsets = [0, 9216], sizes = [512, 512], strides = [1, 1]} : vector<512x13824xf32> to vector<512x512xf32>
    %slice3A_49 = vector.extract_strided_slice %add3A_28 {offsets = [0, 9728], sizes = [512, 512], strides = [1, 1]} : vector<512x13824xf32> to vector<512x512xf32>
    %slice3A_50 = vector.extract_strided_slice %add3A_28 {offsets = [0, 10240], sizes = [512, 512], strides = [1, 1]} : vector<512x13824xf32> to vector<512x512xf32>
    %slice3A_51 = vector.extract_strided_slice %add3A_28 {offsets = [0, 10752], sizes = [512, 512], strides = [1, 1]} : vector<512x13824xf32> to vector<512x512xf32>
    %slice3A_52 = vector.extract_strided_slice %add3A_28 {offsets = [0, 11264], sizes = [512, 512], strides = [1, 1]} : vector<512x13824xf32> to vector<512x512xf32>
    %slice3A_53 = vector.extract_strided_slice %add3A_28 {offsets = [0, 11776], sizes = [512, 512], strides = [1, 1]} : vector<512x13824xf32> to vector<512x512xf32>
    %slice3A_54 = vector.extract_strided_slice %add3A_28 {offsets = [0, 12288], sizes = [512, 512], strides = [1, 1]} : vector<512x13824xf32> to vector<512x512xf32>
    %slice3A_55 = vector.extract_strided_slice %add3A_28 {offsets = [0, 12800], sizes = [512, 512], strides = [1, 1]} : vector<512x13824xf32> to vector<512x512xf32>
    %slice3A_56 = vector.extract_strided_slice %add3A_28 {offsets = [0, 13312], sizes = [512, 512], strides = [1, 1]} : vector<512x13824xf32> to vector<512x512xf32>
    %min3A = arith.minimumf %slice3A_30, %slice3A_31 : vector<512x512xf32>
    %min3A_57 = arith.minimumf %min3A, %slice3A_32 : vector<512x512xf32>
    %min3A_58 = arith.minimumf %min3A_57, %slice3A_33 : vector<512x512xf32>
    %min3A_59 = arith.minimumf %min3A_58, %slice3A_34 : vector<512x512xf32>
    %min3A_60 = arith.minimumf %min3A_59, %slice3A_35 : vector<512x512xf32>
    %min3A_61 = arith.minimumf %min3A_60, %slice3A_36 : vector<512x512xf32>
    %min3A_62 = arith.minimumf %min3A_61, %slice3A_37 : vector<512x512xf32>
    %min3A_63 = arith.minimumf %min3A_62, %slice3A_38 : vector<512x512xf32>
    %min3A_64 = arith.minimumf %min3A_63, %slice3A_39 : vector<512x512xf32>
    %min3A_65 = arith.minimumf %min3A_64, %slice3A_40 : vector<512x512xf32>
    %min3A_66 = arith.minimumf %min3A_65, %slice3A_41 : vector<512x512xf32>
    %min3A_67 = arith.minimumf %min3A_66, %slice3A_42 : vector<512x512xf32>
    %min3A_68 = arith.minimumf %min3A_67, %slice3A_43 : vector<512x512xf32>
    %min3A_69 = arith.minimumf %min3A_68, %slice3A_44 : vector<512x512xf32>
    %min3A_70 = arith.minimumf %min3A_69, %slice3A_45 : vector<512x512xf32>
    %min3A_71 = arith.minimumf %min3A_70, %slice3A_46 : vector<512x512xf32>
    %min3A_72 = arith.minimumf %min3A_71, %slice3A_47 : vector<512x512xf32>
    %min3A_73 = arith.minimumf %min3A_72, %slice3A_48 : vector<512x512xf32>
    %min3A_74 = arith.minimumf %min3A_73, %slice3A_49 : vector<512x512xf32>
    %min3A_75 = arith.minimumf %min3A_74, %slice3A_50 : vector<512x512xf32>
    %min3A_76 = arith.minimumf %min3A_75, %slice3A_51 : vector<512x512xf32>
    %min3A_77 = arith.minimumf %min3A_76, %slice3A_52 : vector<512x512xf32>
    %min3A_78 = arith.minimumf %min3A_77, %slice3A_53 : vector<512x512xf32>
    %min3A_79 = arith.minimumf %min3A_78, %slice3A_54 : vector<512x512xf32>
    %min3A_80 = arith.minimumf %min3A_79, %slice3A_55 : vector<512x512xf32>
    %min3A_81 = arith.minimumf %min3A_80, %slice3A_56 : vector<512x512xf32>
    %le3A = arith.cmpf ole, %slice3A_30, %min3A_81 : vector<512x512xf32>
    %jit3A = arith.constant 1.000000e+30 : f32
    %broadcast_in_dim3A = vector.broadcast %jit3A : f32 to vector<512x512xf32>
    %select_n3A = arith.select %le3A, %broadcast_in_dim3A, %slice3A_30 : vector<512x512xi1>, vector<512x512xf32>
    %le3A_82 = arith.cmpf ole, %slice3A_31, %min3A_81 : vector<512x512xf32>
    %jit3A_83 = arith.constant 1.000000e+30 : f32
    %broadcast_in_dim3A_84 = vector.broadcast %jit3A_83 : f32 to vector<512x512xf32>
    %select_n3A_85 = arith.select %le3A_82, %broadcast_in_dim3A_84, %slice3A_31 : vector<512x512xi1>, vector<512x512xf32>
    %min3A_86 = arith.minimumf %select_n3A, %select_n3A_85 : vector<512x512xf32>
    %le3A_87 = arith.cmpf ole, %slice3A_32, %min3A_81 : vector<512x512xf32>
    %jit3A_88 = arith.constant 1.000000e+30 : f32
    %broadcast_in_dim3A_89 = vector.broadcast %jit3A_88 : f32 to vector<512x512xf32>
    %select_n3A_90 = arith.select %le3A_87, %broadcast_in_dim3A_89, %slice3A_32 : vector<512x512xi1>, vector<512x512xf32>
    %min3A_91 = arith.minimumf %min3A_86, %select_n3A_90 : vector<512x512xf32>
    %le3A_92 = arith.cmpf ole, %slice3A_33, %min3A_81 : vector<512x512xf32>
    %jit3A_93 = arith.constant 1.000000e+30 : f32
    %broadcast_in_dim3A_94 = vector.broadcast %jit3A_93 : f32 to vector<512x512xf32>
    %select_n3A_95 = arith.select %le3A_92, %broadcast_in_dim3A_94, %slice3A_33 : vector<512x512xi1>, vector<512x512xf32>
    %min3A_96 = arith.minimumf %min3A_91, %select_n3A_95 : vector<512x512xf32>
    %le3A_97 = arith.cmpf ole, %slice3A_34, %min3A_81 : vector<512x512xf32>
    %jit3A_98 = arith.constant 1.000000e+30 : f32
    %broadcast_in_dim3A_99 = vector.broadcast %jit3A_98 : f32 to vector<512x512xf32>
    %select_n3A_100 = arith.select %le3A_97, %broadcast_in_dim3A_99, %slice3A_34 : vector<512x512xi1>, vector<512x512xf32>
    %min3A_101 = arith.minimumf %min3A_96, %select_n3A_100 : vector<512x512xf32>
    %le3A_102 = arith.cmpf ole, %slice3A_35, %min3A_81 : vector<512x512xf32>
    %jit3A_103 = arith.constant 1.000000e+30 : f32
    %broadcast_in_dim3A_104 = vector.broadcast %jit3A_103 : f32 to vector<512x512xf32>
    %select_n3A_105 = arith.select %le3A_102, %broadcast_in_dim3A_104, %slice3A_35 : vector<512x512xi1>, vector<512x512xf32>
    %min3A_106 = arith.minimumf %min3A_101, %select_n3A_105 : vector<512x512xf32>
    %le3A_107 = arith.cmpf ole, %slice3A_36, %min3A_81 : vector<512x512xf32>
    %jit3A_108 = arith.constant 1.000000e+30 : f32
    %broadcast_in_dim3A_109 = vector.broadcast %jit3A_108 : f32 to vector<512x512xf32>
    %select_n3A_110 = arith.select %le3A_107, %broadcast_in_dim3A_109, %slice3A_36 : vector<512x512xi1>, vector<512x512xf32>
    %min3A_111 = arith.minimumf %min3A_106, %select_n3A_110 : vector<512x512xf32>
    %le3A_112 = arith.cmpf ole, %slice3A_37, %min3A_81 : vector<512x512xf32>
    %jit3A_113 = arith.constant 1.000000e+30 : f32
    %broadcast_in_dim3A_114 = vector.broadcast %jit3A_113 : f32 to vector<512x512xf32>
    %select_n3A_115 = arith.select %le3A_112, %broadcast_in_dim3A_114, %slice3A_37 : vector<512x512xi1>, vector<512x512xf32>
    %min3A_116 = arith.minimumf %min3A_111, %select_n3A_115 : vector<512x512xf32>
    %le3A_117 = arith.cmpf ole, %slice3A_38, %min3A_81 : vector<512x512xf32>
    %jit3A_118 = arith.constant 1.000000e+30 : f32
    %broadcast_in_dim3A_119 = vector.broadcast %jit3A_118 : f32 to vector<512x512xf32>
    %select_n3A_120 = arith.select %le3A_117, %broadcast_in_dim3A_119, %slice3A_38 : vector<512x512xi1>, vector<512x512xf32>
    %min3A_121 = arith.minimumf %min3A_116, %select_n3A_120 : vector<512x512xf32>
    %le3A_122 = arith.cmpf ole, %slice3A_39, %min3A_81 : vector<512x512xf32>
    %jit3A_123 = arith.constant 1.000000e+30 : f32
    %broadcast_in_dim3A_124 = vector.broadcast %jit3A_123 : f32 to vector<512x512xf32>
    %select_n3A_125 = arith.select %le3A_122, %broadcast_in_dim3A_124, %slice3A_39 : vector<512x512xi1>, vector<512x512xf32>
    %min3A_126 = arith.minimumf %min3A_121, %select_n3A_125 : vector<512x512xf32>
    %le3A_127 = arith.cmpf ole, %slice3A_40, %min3A_81 : vector<512x512xf32>
    %jit3A_128 = arith.constant 1.000000e+30 : f32
    %broadcast_in_dim3A_129 = vector.broadcast %jit3A_128 : f32 to vector<512x512xf32>
    %select_n3A_130 = arith.select %le3A_127, %broadcast_in_dim3A_129, %slice3A_40 : vector<512x512xi1>, vector<512x512xf32>
    %min3A_131 = arith.minimumf %min3A_126, %select_n3A_130 : vector<512x512xf32>
    %le3A_132 = arith.cmpf ole, %slice3A_41, %min3A_81 : vector<512x512xf32>
    %jit3A_133 = arith.constant 1.000000e+30 : f32
    %broadcast_in_dim3A_134 = vector.broadcast %jit3A_133 : f32 to vector<512x512xf32>
    %select_n3A_135 = arith.select %le3A_132, %broadcast_in_dim3A_134, %slice3A_41 : vector<512x512xi1>, vector<512x512xf32>
    %min3A_136 = arith.minimumf %min3A_131, %select_n3A_135 : vector<512x512xf32>
    %le3A_137 = arith.cmpf ole, %slice3A_42, %min3A_81 : vector<512x512xf32>
    %jit3A_138 = arith.constant 1.000000e+30 : f32
    %broadcast_in_dim3A_139 = vector.broadcast %jit3A_138 : f32 to vector<512x512xf32>
    %select_n3A_140 = arith.select %le3A_137, %broadcast_in_dim3A_139, %slice3A_42 : vector<512x512xi1>, vector<512x512xf32>
    %min3A_141 = arith.minimumf %min3A_136, %select_n3A_140 : vector<512x512xf32>
    %le3A_142 = arith.cmpf ole, %slice3A_43, %min3A_81 : vector<512x512xf32>
    %jit3A_143 = arith.constant 1.000000e+30 : f32
    %broadcast_in_dim3A_144 = vector.broadcast %jit3A_143 : f32 to vector<512x512xf32>
    %select_n3A_145 = arith.select %le3A_142, %broadcast_in_dim3A_144, %slice3A_43 : vector<512x512xi1>, vector<512x512xf32>
    %min3A_146 = arith.minimumf %min3A_141, %select_n3A_145 : vector<512x512xf32>
    %le3A_147 = arith.cmpf ole, %slice3A_44, %min3A_81 : vector<512x512xf32>
    %jit3A_148 = arith.constant 1.000000e+30 : f32
    %broadcast_in_dim3A_149 = vector.broadcast %jit3A_148 : f32 to vector<512x512xf32>
    %select_n3A_150 = arith.select %le3A_147, %broadcast_in_dim3A_149, %slice3A_44 : vector<512x512xi1>, vector<512x512xf32>
    %min3A_151 = arith.minimumf %min3A_146, %select_n3A_150 : vector<512x512xf32>
    %le3A_152 = arith.cmpf ole, %slice3A_45, %min3A_81 : vector<512x512xf32>
    %jit3A_153 = arith.constant 1.000000e+30 : f32
    %broadcast_in_dim3A_154 = vector.broadcast %jit3A_153 : f32 to vector<512x512xf32>
    %select_n3A_155 = arith.select %le3A_152, %broadcast_in_dim3A_154, %slice3A_45 : vector<512x512xi1>, vector<512x512xf32>
    %min3A_156 = arith.minimumf %min3A_151, %select_n3A_155 : vector<512x512xf32>
    %le3A_157 = arith.cmpf ole, %slice3A_46, %min3A_81 : vector<512x512xf32>
    %jit3A_158 = arith.constant 1.000000e+30 : f32
    %broadcast_in_dim3A_159 = vector.broadcast %jit3A_158 : f32 to vector<512x512xf32>
    %select_n3A_160 = arith.select %le3A_157, %broadcast_in_dim3A_159, %slice3A_46 : vector<512x512xi1>, vector<512x512xf32>
    %min3A_161 = arith.minimumf %min3A_156, %select_n3A_160 : vector<512x512xf32>
    %le3A_162 = arith.cmpf ole, %slice3A_47, %min3A_81 : vector<512x512xf32>
    %jit3A_163 = arith.constant 1.000000e+30 : f32
    %broadcast_in_dim3A_164 = vector.broadcast %jit3A_163 : f32 to vector<512x512xf32>
    %select_n3A_165 = arith.select %le3A_162, %broadcast_in_dim3A_164, %slice3A_47 : vector<512x512xi1>, vector<512x512xf32>
    %min3A_166 = arith.minimumf %min3A_161, %select_n3A_165 : vector<512x512xf32>
    %le3A_167 = arith.cmpf ole, %slice3A_48, %min3A_81 : vector<512x512xf32>
    %jit3A_168 = arith.constant 1.000000e+30 : f32
    %broadcast_in_dim3A_169 = vector.broadcast %jit3A_168 : f32 to vector<512x512xf32>
    %select_n3A_170 = arith.select %le3A_167, %broadcast_in_dim3A_169, %slice3A_48 : vector<512x512xi1>, vector<512x512xf32>
    %min3A_171 = arith.minimumf %min3A_166, %select_n3A_170 : vector<512x512xf32>
    %le3A_172 = arith.cmpf ole, %slice3A_49, %min3A_81 : vector<512x512xf32>
    %jit3A_173 = arith.constant 1.000000e+30 : f32
    %broadcast_in_dim3A_174 = vector.broadcast %jit3A_173 : f32 to vector<512x512xf32>
    %select_n3A_175 = arith.select %le3A_172, %broadcast_in_dim3A_174, %slice3A_49 : vector<512x512xi1>, vector<512x512xf32>
    %min3A_176 = arith.minimumf %min3A_171, %select_n3A_175 : vector<512x512xf32>
    %le3A_177 = arith.cmpf ole, %slice3A_50, %min3A_81 : vector<512x512xf32>
    %jit3A_178 = arith.constant 1.000000e+30 : f32
    %broadcast_in_dim3A_179 = vector.broadcast %jit3A_178 : f32 to vector<512x512xf32>
    %select_n3A_180 = arith.select %le3A_177, %broadcast_in_dim3A_179, %slice3A_50 : vector<512x512xi1>, vector<512x512xf32>
    %min3A_181 = arith.minimumf %min3A_176, %select_n3A_180 : vector<512x512xf32>
    %le3A_182 = arith.cmpf ole, %slice3A_51, %min3A_81 : vector<512x512xf32>
    %jit3A_183 = arith.constant 1.000000e+30 : f32
    %broadcast_in_dim3A_184 = vector.broadcast %jit3A_183 : f32 to vector<512x512xf32>
    %select_n3A_185 = arith.select %le3A_182, %broadcast_in_dim3A_184, %slice3A_51 : vector<512x512xi1>, vector<512x512xf32>
    %min3A_186 = arith.minimumf %min3A_181, %select_n3A_185 : vector<512x512xf32>
    %le3A_187 = arith.cmpf ole, %slice3A_52, %min3A_81 : vector<512x512xf32>
    %jit3A_188 = arith.constant 1.000000e+30 : f32
    %broadcast_in_dim3A_189 = vector.broadcast %jit3A_188 : f32 to vector<512x512xf32>
    %select_n3A_190 = arith.select %le3A_187, %broadcast_in_dim3A_189, %slice3A_52 : vector<512x512xi1>, vector<512x512xf32>
    %min3A_191 = arith.minimumf %min3A_186, %select_n3A_190 : vector<512x512xf32>
    %le3A_192 = arith.cmpf ole, %slice3A_53, %min3A_81 : vector<512x512xf32>
    %jit3A_193 = arith.constant 1.000000e+30 : f32
    %broadcast_in_dim3A_194 = vector.broadcast %jit3A_193 : f32 to vector<512x512xf32>
    %select_n3A_195 = arith.select %le3A_192, %broadcast_in_dim3A_194, %slice3A_53 : vector<512x512xi1>, vector<512x512xf32>
    %min3A_196 = arith.minimumf %min3A_191, %select_n3A_195 : vector<512x512xf32>
    %le3A_197 = arith.cmpf ole, %slice3A_54, %min3A_81 : vector<512x512xf32>
    %jit3A_198 = arith.constant 1.000000e+30 : f32
    %broadcast_in_dim3A_199 = vector.broadcast %jit3A_198 : f32 to vector<512x512xf32>
    %select_n3A_200 = arith.select %le3A_197, %broadcast_in_dim3A_199, %slice3A_54 : vector<512x512xi1>, vector<512x512xf32>
    %min3A_201 = arith.minimumf %min3A_196, %select_n3A_200 : vector<512x512xf32>
    %le3A_202 = arith.cmpf ole, %slice3A_55, %min3A_81 : vector<512x512xf32>
    %jit3A_203 = arith.constant 1.000000e+30 : f32
    %broadcast_in_dim3A_204 = vector.broadcast %jit3A_203 : f32 to vector<512x512xf32>
    %select_n3A_205 = arith.select %le3A_202, %broadcast_in_dim3A_204, %slice3A_55 : vector<512x512xi1>, vector<512x512xf32>
    %min3A_206 = arith.minimumf %min3A_201, %select_n3A_205 : vector<512x512xf32>
    %le3A_207 = arith.cmpf ole, %slice3A_56, %min3A_81 : vector<512x512xf32>
    %jit3A_208 = arith.constant 1.000000e+30 : f32
    %broadcast_in_dim3A_209 = vector.broadcast %jit3A_208 : f32 to vector<512x512xf32>
    %select_n3A_210 = arith.select %le3A_207, %broadcast_in_dim3A_209, %slice3A_56 : vector<512x512xi1>, vector<512x512xf32>
    %min3A_211 = arith.minimumf %min3A_206, %select_n3A_210 : vector<512x512xf32>
    %concatenate3A = tpu.concatenate %min3A_81, %min3A_211 in 1 : vector<512x512xf32>, vector<512x512xf32> -> vector<512x1024xf32>
    %reduce_min3A = arith.constant dense<0x7F800000> : vector<512xf32>
    %reduce_min3A_212 = vector.multi_reduction <minimumf>, %concatenate3A, %reduce_min3A [1] : vector<512x1024xf32> to vector<512xf32>
    %broadcast_in_dim3A_213 = vector.shape_cast %reduce_min3A_212 : vector<512xf32> to vector<512x1xf32>
    %le3A_214 = vector.broadcast %broadcast_in_dim3A_213 : vector<512x1xf32> to vector<512x1024xf32>
    %le3A_215 = arith.cmpf ole, %concatenate3A, %le3A_214 : vector<512x1024xf32>
    %jit3A_216 = arith.constant 1.000000e+30 : f32
    %broadcast_in_dim3A_217 = vector.broadcast %jit3A_216 : f32 to vector<512x1024xf32>
    %select_n3A_218 = arith.select %le3A_215, %broadcast_in_dim3A_217, %concatenate3A : vector<512x1024xi1>, vector<512x1024xf32>
    %reduce_min3A_219 = arith.constant dense<0x7F800000> : vector<512xf32>
    %reduce_min3A_220 = vector.multi_reduction <minimumf>, %select_n3A_218, %reduce_min3A_219 [1] : vector<512x1024xf32> to vector<512xf32>
    %broadcast_in_dim3A_221 = vector.shape_cast %reduce_min3A_220 : vector<512xf32> to vector<512x1xf32>
    %le3A_222 = vector.broadcast %broadcast_in_dim3A_221 : vector<512x1xf32> to vector<512x1024xf32>
    %le3A_223 = arith.cmpf ole, %select_n3A_218, %le3A_222 : vector<512x1024xf32>
    %jit3A_224 = arith.constant 1.000000e+30 : f32
    %broadcast_in_dim3A_225 = vector.broadcast %jit3A_224 : f32 to vector<512x1024xf32>
    %select_n3A_226 = arith.select %le3A_223, %broadcast_in_dim3A_225, %select_n3A_218 : vector<512x1024xi1>, vector<512x1024xf32>
    %reduce_min3A_227 = arith.constant dense<0x7F800000> : vector<512xf32>
    %reduce_min3A_228 = vector.multi_reduction <minimumf>, %select_n3A_226, %reduce_min3A_227 [1] : vector<512x1024xf32> to vector<512xf32>
    %broadcast_in_dim3A_229 = vector.shape_cast %reduce_min3A_228 : vector<512xf32> to vector<512x1xf32>
    %le3A_230 = vector.broadcast %broadcast_in_dim3A_229 : vector<512x1xf32> to vector<512x1024xf32>
    %le3A_231 = arith.cmpf ole, %select_n3A_226, %le3A_230 : vector<512x1024xf32>
    %jit3A_232 = arith.constant 1.000000e+30 : f32
    %broadcast_in_dim3A_233 = vector.broadcast %jit3A_232 : f32 to vector<512x1024xf32>
    %select_n3A_234 = arith.select %le3A_231, %broadcast_in_dim3A_233, %select_n3A_226 : vector<512x1024xi1>, vector<512x1024xf32>
    %reduce_min3A_235 = arith.constant dense<0x7F800000> : vector<512xf32>
    %reduce_min3A_236 = vector.multi_reduction <minimumf>, %select_n3A_234, %reduce_min3A_235 [1] : vector<512x1024xf32> to vector<512xf32>
    %broadcast_in_dim3A_237 = vector.shape_cast %reduce_min3A_236 : vector<512xf32> to vector<512x1xf32>
    %le3A_238 = vector.broadcast %broadcast_in_dim3A_237 : vector<512x1xf32> to vector<512x1024xf32>
    %le3A_239 = arith.cmpf ole, %select_n3A_234, %le3A_238 : vector<512x1024xf32>
    %jit3A_240 = arith.constant 1.000000e+30 : f32
    %broadcast_in_dim3A_241 = vector.broadcast %jit3A_240 : f32 to vector<512x1024xf32>
    %select_n3A_242 = arith.select %le3A_239, %broadcast_in_dim3A_241, %select_n3A_234 : vector<512x1024xi1>, vector<512x1024xf32>
    %reduce_min3A_243 = arith.constant dense<0x7F800000> : vector<512xf32>
    %reduce_min3A_244 = vector.multi_reduction <minimumf>, %select_n3A_242, %reduce_min3A_243 [1] : vector<512x1024xf32> to vector<512xf32>
    %broadcast_in_dim3A_245 = vector.shape_cast %reduce_min3A_244 : vector<512xf32> to vector<512x1xf32>
    %le3A_246 = vector.broadcast %broadcast_in_dim3A_245 : vector<512x1xf32> to vector<512x1024xf32>
    %le3A_247 = arith.cmpf ole, %select_n3A_242, %le3A_246 : vector<512x1024xf32>
    %jit3A_248 = arith.constant 1.000000e+30 : f32
    %broadcast_in_dim3A_249 = vector.broadcast %jit3A_248 : f32 to vector<512x1024xf32>
    %select_n3A_250 = arith.select %le3A_247, %broadcast_in_dim3A_249, %select_n3A_242 : vector<512x1024xi1>, vector<512x1024xf32>
    %reduce_min3A_251 = arith.constant dense<0x7F800000> : vector<512xf32>
    %reduce_min3A_252 = vector.multi_reduction <minimumf>, %select_n3A_250, %reduce_min3A_251 [1] : vector<512x1024xf32> to vector<512xf32>
    %broadcast_in_dim3A_253 = vector.shape_cast %reduce_min3A_252 : vector<512xf32> to vector<512x1xf32>
    %le3A_254 = vector.broadcast %broadcast_in_dim3A_253 : vector<512x1xf32> to vector<512x1024xf32>
    %le3A_255 = arith.cmpf ole, %select_n3A_250, %le3A_254 : vector<512x1024xf32>
    %jit3A_256 = arith.constant 1.000000e+30 : f32
    %broadcast_in_dim3A_257 = vector.broadcast %jit3A_256 : f32 to vector<512x1024xf32>
    %select_n3A_258 = arith.select %le3A_255, %broadcast_in_dim3A_257, %select_n3A_250 : vector<512x1024xi1>, vector<512x1024xf32>
    %reduce_min3A_259 = arith.constant dense<0x7F800000> : vector<512xf32>
    %reduce_min3A_260 = vector.multi_reduction <minimumf>, %select_n3A_258, %reduce_min3A_259 [1] : vector<512x1024xf32> to vector<512xf32>
    %broadcast_in_dim3A_261 = vector.shape_cast %reduce_min3A_260 : vector<512xf32> to vector<512x1xf32>
    %le3A_262 = vector.broadcast %broadcast_in_dim3A_261 : vector<512x1xf32> to vector<512x1024xf32>
    %le3A_263 = arith.cmpf ole, %select_n3A_258, %le3A_262 : vector<512x1024xf32>
    %jit3A_264 = arith.constant 1.000000e+30 : f32
    %broadcast_in_dim3A_265 = vector.broadcast %jit3A_264 : f32 to vector<512x1024xf32>
    %select_n3A_266 = arith.select %le3A_263, %broadcast_in_dim3A_265, %select_n3A_258 : vector<512x1024xi1>, vector<512x1024xf32>
    %reduce_min3A_267 = arith.constant dense<0x7F800000> : vector<512xf32>
    %reduce_min3A_268 = vector.multi_reduction <minimumf>, %select_n3A_266, %reduce_min3A_267 [1] : vector<512x1024xf32> to vector<512xf32>
    %broadcast_in_dim3A_269 = vector.shape_cast %reduce_min3A_268 : vector<512xf32> to vector<512x1xf32>
    %max3A = arith.constant 0.000000e+00 : f32
    %max3A_270 = vector.broadcast %max3A : f32 to vector<512x13824xf32>
    %max3A_271 = arith.maximumf %dot_general3A_29, %max3A_270 : vector<512x13824xf32>
    %mul3A_272 = arith.mulf %max3A_271, %max3A_271 : vector<512x13824xf32>
    %mul3A_273 = arith.mulf %mul3A_272, %max3A_271 : vector<512x13824xf32>
    %le3A_274 = vector.broadcast %broadcast_in_dim3A_269 : vector<512x1xf32> to vector<512x13824xf32>
    %le3A_275 = arith.cmpf ole, %add3A_28, %le3A_274 : vector<512x13824xf32>
    %jit3A_276 = arith.constant 0.000000e+00 : f32
    %broadcast_in_dim3A_277 = vector.broadcast %jit3A_276 : f32 to vector<512x13824xf32>
    %select_n3A_278 = arith.select %le3A_275, %mul3A_273, %broadcast_in_dim3A_277 : vector<512x13824xi1>, vector<512x13824xf32>
    %reduce_sum3A = arith.constant dense<0.000000e+00> : vector<512xf32>
    %reduce_sum3A_279 = vector.multi_reduction <add>, %select_n3A_278, %reduce_sum3A [1] : vector<512x13824xf32> to vector<512xf32>
    %broadcast_in_dim3A_280 = vector.shape_cast %reduce_sum3A_279 : vector<512xf32> to vector<512x1xf32>
    %reduce_sum3A_281 = vector.shape_cast %broadcast_in_dim3A_280 : vector<512x1xf32> to vector<1x512x1xf32>
    %reduce_sum3A_282 = arith.constant dense<0.000000e+00> : vector<1xf32>
    %reduce_sum3A_283 = vector.multi_reduction <add>, %reduce_sum3A_281, %reduce_sum3A_282 [1, 2] : vector<1x512x1xf32> to vector<1xf32>
    %reduce_sum3A_284 = vector.shape_cast %reduce_sum3A_283 : vector<1xf32> to vector<1x1x1xf32>
    %reduce_sum3A_285 = vector.extract %reduce_sum3A_284[0, 0, 0] : f32 from vector<1x1x1xf32>
    %broadcast_in_dim3A_286 = vector.broadcast %reduce_sum3A_285 : f32 to vector<1x1xf32>
    %eq3A = arith.constant 0 : i32
    %eq3A_287 = arith.cmpi eq, %arg0, %eq3A : i32
    %broadcast_in_dim3A_288 = arith.constant 0.000000e+00 : f32
    %broadcast_in_dim3A_289 = vector.broadcast %broadcast_in_dim3A_288 : f32 to vector<1x1xf32>
    %get3A_290 = arith.constant 0 : index
    %get3A_291 = arith.constant 0 : index
    %get3A_292 = vector.load %arg5[%get3A_290, %get3A_291] : memref<1x1xf32, #tpu.memory_space<vmem>>, vector<1x1xf32>
    %select_n3A_293 = arith.select %eq3A_287, %broadcast_in_dim3A_289, %get3A_292 : vector<1x1xf32>
    %add3A_294 = arith.addf %select_n3A_293, %broadcast_in_dim3A_286 : vector<1x1xf32>
    %eq3A_295 = arith.constant 31 : i32
    %eq3A_296 = arith.cmpi eq, %arg0, %eq3A_295 : i32
    %div3A = arith.constant 1.638400e+04 : f32
    %div3A_297 = vector.broadcast %div3A : f32 to vector<1x1xf32>
    %div3A_298 = arith.divf %add3A_294, %div3A_297 : vector<1x1xf32>
    %select_n3A_299 = arith.select %eq3A_296, %div3A_298, %add3A_294 : vector<1x1xf32>
    %swap3A = arith.constant 0 : index
    %swap3A_300 = arith.constant 0 : index
    %swap3A_301 = vector.load %arg5[%swap3A, %swap3A_300] : memref<1x1xf32, #tpu.memory_space<vmem>>, vector<1x1xf32>
    tpu.vector_store %arg5[%swap3A, %swap3A_300], %select_n3A_299 {strides = array<i32>} : memref<1x1xf32, #tpu.memory_space<vmem>>, vector<1x1xf32>,
    return
  }
  func.func @transform_0(%arg0: i32) -> (i32, i32) {
    %c0_i32 = arith.constant 0 : i32
    %c0_i32_0 = arith.constant 0 : i32
    return %arg0, %c0_i32 : i32, i32
  }
  func.func @transform_1(%arg0: i32) -> (i32, i32) {
    %c0_i32 = arith.constant 0 : i32
    %c0_i32_0 = arith.constant 0 : i32
    return %arg0, %c0_i32 : i32, i32
  }
  func.func @transform_2(%arg0: i32) -> (i32, i32) {
    %c0_i32 = arith.constant 0 : i32
    %c0_i32_0 = arith.constant 0 : i32
    %c0_i32_1 = arith.constant 0 : i32
    return %c0_i32, %c0_i32_0 : i32, i32
  }
  func.func @transform_3(%arg0: i32) -> (i32, i32) {
    %c0_i32 = arith.constant 0 : i32
    %c0_i32_0 = arith.constant 0 : i32
    %c0_i32_1 = arith.constant 0 : i32
    return %c0_i32, %c0_i32_0 : i32, i32
  }
  func.func @transform_4(%arg0: i32) -> (i32, i32) {
    %c0_i32 = arith.constant 0 : i32
    %c0_i32_0 = arith.constant 0 : i32
    %c0_i32_1 = arith.constant 0 : i32
    return %c0_i32, %c0_i32_0 : i32, i32
  }
}

</mosaic_0001>

<sc_bundles>
// kernel: kernel.5.cloned.1.call-start
scs
__scs_entry_jumppad:
0x0: {  	(pc) =	sbr.rel $0x88, $3  }
0x1: {  	(tag) =	ssettag $0x0;
	lr =	simm.s32 $0x1  }
0x2: {  	[smem:$0x3F9D] =	sst lr;
	_ =	strace $0xD0000000  }
0x3: {  	_ = 	snop  }
0x4: {  	_ = 	snop  }
0x5: {  	_ = 	snop  }
0x6: {  	_ = 	snop  }
0x7: {  	_ = 	snop  }
__scs_overlays_trampoline_lowered:
0x8: {  	[smem:$0x3FAC] =	sst s0  }
0x9: {  	[smem:$0x3FAD] =	sst s1  }
0xa: {  	[smem:$0x3FAE] =	sst s2  }
0xb: {  	[smem:$0x3FAF] =	sst s3  }
0xc: {  	[smem:$0x3FB0] =	sst s4  }
0xd: {  	[smem:$0x3FB1] =	sst s5  }
0xe: {  	[smem:$0x3FB2] =	sst s6  }
0xf: {  	[smem:$0x3FB3] =	sst s7  }
0x10: {  	[smem:$0x3FB4] =	sst s8  }
0x11: {  	[smem:$0x3FB5] =	sst s9;
	s0 =	simm.s32 @!p0 $0x0  }
0x12: {  	s1 =	sld [smem:$0x3F9B];
	s0 =	simm.s32 @p0 $0x1  }
0x13: {  	[smem:$0x3FB6] =	sst s0;
	s0 =	simm.s32 @!p1 $0x0  }
0x14: {  	s2 =	sld [smem:$0x3F9A];
	s0 =	simm.s32 @p1 $0x1  }
0x15: {  	[smem:$0x3FB7] =	sst s0;
	s0 =	simm.s32 @!p2 $0x0  }
0x16: {  	s3 =	sld [smem:$0x3FDB];
	s0 =	simm.s32 @p2 $0x1  }
0x17: {  	s4 =	simm.s32 $0x1BF5;
	[smem:$0x3FB9] =	sst s0  }
0x18: {  	s0 =	sld [smem:$0x3F9C];
	_ =	swait.ge [sflag:s4], $0x0  }
0x19: {  	s7 =	sld [smem:$0x3F9D]  }
0x1a: {  	s8 =	sadd.s32 $0xFFFFE003, lr  }
0x1b: {  	s9 =	sadd.s32 $0xFFFFFEF7, lr;
	s5 =	simm.s32 $0xFFFFFFFF;
	p2 =	slt.u32 s8, $0xFFFFF086  }
0x1c: {  	p1 =	slt.u32 s9, $0xF7A;
	s5 =	simm.s32 @!p2 $0x0  }
0x1d: {  	s5 =	simm.s32 @p1 $0x1;
	p0 =	seq.s32 s7, s2  }
0x1e: {  	s7 =	smul.u32 @!p0 $0xF7A, s2;
	p2 =	seq.s32 @!p0 s5, $0x0  }
0x1f: {  	s9 =	smul.u32 $0xF7A, s1;
	s8 =	simm.s32 @!p0 $0x1BF5;
	p2 =	por !p2, p0  }
0x20: {  	[sflag:s8] =	ssyncset.s32 @!p0 $0xFFFFF086;
	s6 =	sadd.s32 @!p0 s3, s7;
	s7 =	simm.s32 @!p0 $0x108  }
0x21: {  	s3 =	sadd.s32 s3, s9;
	s6 =	sadd.s32 @!p0 $0x88, s6;
	s7 =	simm.s32 @p2 $0x1082  }
0x22: {  	[simem:s7], [sflag:s8] =	dma.local @!p0 [hbm:s6], $0xF7A  }
0x23: {  	s9 =	sor.u32 $0xD0000000, s2;
	s6 =	simm.s32 $0x108;
	_ =	swait.ge @!p0 [sflag:s8], $0x0  }
0x24: {  	s3 =	sadd.s32 $0x88, s3;
	s6 =	simm.s32 @!p1 $0x1082;
	[sflag:s4] =	ssyncset.s32 $0xFFFFF086  }
0x25: {  	[simem:s6], [sflag:s4] =	dma.local [hbm:s3], $0xF7A  }
0x26: {  	[smem:$0x3F9D] =	sst s1;
	(tag) =	ssettag s2;
	_ =	strace s9  }
0x27: {  	s1 =	sld [smem:$0x3FAD]  }
0x28: {  	s2 =	sld [smem:$0x3FAE]  }
0x29: {  	s4 =	sld [smem:$0x3FB0]  }
0x2a: {  	p0 =	seq.s32 s5, $0x0;
	s5 =	sld [smem:$0x3FB1]  }
0x2b: {  	s6 =	sld [smem:$0x3FB2]  }
0x2c: {  	s7 =	sld [smem:$0x3FB3]  }
0x2d: {  	s3 =	simm.s32 $0x108;
	s8 =	sld [smem:$0x3FB4]  }
0x2e: {  	s3 =	simm.s32 @!p0 $0x1082;
	s9 =	sld [smem:$0x3FB5]  }
0x2f: {  	lr =	sadd.s32 s0, s3;
	s0 =	sld [smem:$0x3FAC]  }
0x30: {  	s3 =	sld [smem:$0x3FAF]  }
0x31: {  	[smem:$0x3FB8] =	sst s10  }
0x32: {  	s10 =	sld [smem:$0x3FB6];
	_ =	sdelay $0x3  }
0x33: {  	p0 =	seq.s32 s10, $0x1;
	s10 =	sld [smem:$0x3FB8];
	_ =	sdelay $0x3  }
0x34: {  	[smem:$0x3FB8] =	sst s10  }
0x35: {  	s10 =	sld [smem:$0x3FB7];
	_ =	sdelay $0x3  }
0x36: {  	p1 =	seq.s32 s10, $0x1;
	s10 =	sld [smem:$0x3FB8];
	_ =	sdelay $0x3  }
0x37: {  	[smem:$0x3FB8] =	sst s10  }
0x38: {  	s10 =	sld [smem:$0x3FB9]  }
0x39: {  	_ = 	snop;
	(pc) =	sbr.ind lr, $3  }
0x3a: {  	_ = 	snop  }
0x3b: {  	_ = 	snop  }
0x3c: {  	p2 =	seq.s32 s10, $0x1;
	s10 =	sld [smem:$0x3FB8]  }
0x3d: {  	_ =	shalt  }
0x3e: {  	_ =	shalt  }
0x3f: {  	_ =	shalt  }
0x40: {  	_ =	shalt  }
0x41: {  	_ =	shalt  }
0x42: {  	_ =	shalt  }
0x43: {  	_ =	shalt  }
0x44: {  	_ =	shalt  }
0x45: {  	_ =	shalt  }
0x46: {  	_ =	shalt  }
0x47: {  	_ =	shalt  }
0x48: {  	_ =	shalt  }
0x49: {  	_ =	shalt  }
0x4a: {  	_ =	shalt  }
0x4b: {  	_ =	shalt  }
0x4c: {  	_ =	shalt  }
0x4d: {  	_ =	shalt  }
0x4e: {  	_ =	shalt  }
0x4f: {  	_ =	shalt  }
0x50: {  	_ =	shalt  }
0x51: {  	_ =	shalt  }
0x52: {  	_ =	shalt  }
0x53: {  	_ =	shalt  }
0x54: {  	_ =	shalt  }
0x55: {  	_ =	shalt  }
0x56: {  	_ =	shalt  }
0x57: {  	_ =	shalt  }
0x58: {  	_ =	shalt  }
0x59: {  	_ =	shalt  }
0x5a: {  	_ =	shalt  }
0x5b: {  	_ =	shalt  }
0x5c: {  	_ =	shalt  }
0x5d: {  	_ =	shalt  }
0x5e: {  	_ =	shalt  }
0x5f: {  	_ =	shalt  }
0x60: {  	_ =	shalt  }
0x61: {  	_ =	shalt  }
0x62: {  	_ =	shalt  }
0x63: {  	_ =	shalt  }
0x64: {  	_ =	shalt  }
0x65: {  	_ =	shalt  }
0x66: {  	_ =	shalt  }
0x67: {  	_ =	shalt  }
0x68: {  	_ =	shalt  }
0x69: {  	_ =	shalt  }
0x6a: {  	_ =	shalt  }
0x6b: {  	_ =	shalt  }
0x6c: {  	_ =	shalt  }
0x6d: {  	_ =	shalt  }
0x6e: {  	_ =	shalt  }
0x6f: {  	_ =	shalt  }
0x70: {  	_ =	shalt  }
0x71: {  	_ =	shalt  }
0x72: {  	_ =	shalt  }
0x73: {  	_ =	shalt  }
0x74: {  	_ =	shalt  }
0x75: {  	_ =	shalt  }
0x76: {  	_ =	shalt  }
0x77: {  	_ =	shalt  }
0x78: {  	_ =	shalt  }
0x79: {  	_ =	shalt  }
0x7a: {  	_ =	shalt  }
0x7b: {  	_ =	shalt  }
0x7c: {  	_ =	shalt  }
0x7d: {  	_ =	shalt  }
0x7e: {  	_ =	shalt  }
0x7f: {  	_ =	shalt  }
0x80: {  	_ =	shalt  }
0x81: {  	_ =	shalt  }
0x82: {  	_ =	shalt  }
0x83: {  	_ =	shalt  }
0x84: {  	_ =	shalt  }
0x85: {  	_ =	shalt  }
0x86: {  	_ =	shalt  }
0x87: {  	_ =	shalt  }
.Lfunc_end0:
.L_simem_size_0:
called_computation_lowered:
.L_overlay_start_0:
0x88: {  	s2 =	sld [smem:$0x3FD9]  }
0x89: {  	s3 =	sld [smem:$0x3FFE];
	_ =	sdelay $0x1  }
0x8a: {  	s1 =	srdreg.scid  }
0x8b: {  	s0 =	sand.u32 $0x1, s1  }
0x8c: {  	s16 =	sshll.u32 s0, $0xA;
	s2 =	sadd.s32 s3, s2  }
0x8d: {  	s2 =	sadd.s32 s2, s16  }
0x8e: {  	[smem:$0x3FC4] =	sst s2  }
0x8f: {  	_ = 	snop  }
0x90: {  	(tm) =	ssettm $0x1  }
0x91: {  	s17 =	sld [smem:$0x3FFB];
	_ =	sdelay $0x3  }
0x92: {  	_ =	strace s17  }
0x93: {  	s2 =	sld [smem:$0x3FFC];
	_ =	sdelay $0x3  }
0x94: {  	_ =	strace s2  }
0x95: {  	s2 =	sld [smem:$0x3FFD];
	_ =	sdelay $0x3  }
0x96: {  	_ =	strace s2  }
0x97: {  	_ =	strace $0x8FFFFFFF  }
0x98: {  	s18 =	sld [smem:$0x3FDB];
	_ =	sdelay $0x1  }
0x99: {  	s19 =	simm.s32 $_scs_section_size  }
0x9a: {  	s4 =	simm.s32 $_size__tile_overlayer_lowered;
	s5 =	simm.s32 $_tile_overlayer_lowered  }
0x9b: {  	s22 =	simm.s32 $0x1BFF;
	s21 =	sshll.u32 s5, $0x1;
	s2 =	sadd.s32 s19, s18  }
0x9c: {  	s6 =	simm.s32 $0x0;
	s20 =	sshll.u32 s4, $0x1;
	s4 =	sadd.s32 s21, s2  }
0x9d: {  	[timem:s6], [sflag:s22] =	dma.local [hbm:s4], s20  }
0x9e: {  	_ =	swait.ge [sflag:s22], s20  }
0x9f: {  	s3 =	ssub.s32 $0x0, s20;
	[sflag:s22] =	ssyncset.done $0x0  }
0xa0: {  	[sflag:s22] =	ssyncadd.s32 s3;
	_ =	sdelay $0x1  }
0xa1: {  	s23 =	simm.s32 $0x1B8B  }
0xa2: {  	_ =	swait.ge [sflag:s23], $0x1  }
0xa3: {  	[sflag:s23] =	ssyncset.done $0x0  }
0xa4: {  	s25 =	simm.s32 $0x1B8E;
	s24 =	sld [smem:$0x3FFE];
	[sflag:s23] =	ssyncadd.s32 $0xFFFFFFFF  }
0xa5: {  	s26 =	simm.s32 $execute0_lowered;
	[smem:$0x3FD2] =	sst s25  }
0xa6: {  	s4 =	sshll.u32 s26, $0x1;
	_ =	strace $0x80000046;
	[dreg:$0x1] =	wrdreg $0xFFFFFFFF  }
0xa7: {  	s28 =	simm.s32 $_size_execute0_lowered;
	s2 =	sadd.s32 s2, s4;
	[dreg:$0x0] =	wrdreg $0x0  }
0xa8: {  	s4 =	sshll.u32 s28, $0x1;
	[dreg:$0x2] =	wrdreg s2  }
0xa9: {  	[dreg:$0x3] =	wrdreg s4  }
0xaa: {  	[dreg:$0x4] =	wrdreg $0xC0  }
0xab: {  	_ =	task [dreg:s6], $0x5FFFF  }
0xac: {  	[dreg:$0x1] =	wrdreg $0xFFFFFFFF  }
0xad: {  	[dreg:$0x0] =	wrdreg $0x60  }
0xae: {  	[dreg:$0x2] =	wrdreg s24  }
0xaf: {  	[dreg:$0x3] =	wrdreg $0x9  }
0xb0: {  	_ =	task.clear_ibuf [dreg:s6], $0x4FFFF;
	_ =	strace $0x90000046  }
0xb1: {  	s29 =	simm.s32 $0x9;
	_ =	strace $0x80000048  }
0xb2: {  	_ =	swait.ge [sflag:s29], $0x1  }
0xb3: {  	[sflag:s29] =	ssyncadd.s32 $0xFFFFFFFF  }
0xb4: {  	_ =	strace $0x90000048  }
0xb5: {  	_ =	sfence  }
0xb6: {  	s30 =	sld [smem:$0x0];
	_ =	sdelay $0x2  }
0xb7: {  	s31 =	sshll.u32 s1, $0xD;
	s1 =	sshrl.u32 s1, $0x2  }
0xb8: {  	s3 =	sand.u32 $0x4000, s31;
	s1 =	sadd.s32 s1, s30  }
0xb9: {  	s0 =	sor.u32 s3, s0;
	s1 =	sshll.u32 s1, $0x11  }
0xba: {  	s0 =	sor.u32 s1, s0  }
0xbb: {  	s0 =	sadd.s32 $0x8F2B, s0  }
0xbc: {  	[sflag:s0] =	ssyncadd.remote.s32 $0x1  }
0xbd: {  	_ =	sfence.sel $0xFFFF  }
0xbe: {  	[dreg:$0x0] =	wrdreg $0xFFFFFFFF;
	(pc) =	sbr.abs _section_cstart, $3  }
0xbf: {  	[dreg:$0x1] =	wrdreg $0xFFFFFFFF  }
0xc0: {  	_ =	task.clear_ibuf [dreg:s6], $0x2FFFF;
	_ =	strace $0x9FFFFFFF  }
0xc1: {  	(tm) =	ssettm $0x7FFFFFFF  }
tec
execute0_lowered:
.L_overlay_start_1:
0x0: {  	(tag) =	ssettag $0x1  }
0x1: {  	s1 =	srdreg.scid;
	s0 =	stileid.u32  }
0x2: {  	s26 =	sand.u32 $0x1, s1;
	s31 =	sshll.u32 s0, $0x1  }
0x3: {  	s28 =	sor.u32 s26, s31  }
0x4: {  	s3 =	smul.u32 $0xB0, s28  }
0x5: {  	s29 =	rddreg [dreg:$0x0];
	s2 =	simm.s32 $0x0  }
0x6: {  	[smem:$0x7FF] =	sst s2;
	s3 =	sadd.s32 s3, s29  }
0x7: {  	_ =	strace $0x80000047;
	s4 =	sadd.s32 $0x4200, s3;
	s3 =	simm.s32 $0x2  }
0x8: {  	[tilespmem:s2], [sflag:$0x2] =	stream.linear.gather [hbm4b:s4+s2], $0x580, $0x38;
	[tilespmem:$0x5D80] =	vst v63  }
0x9: {  	_ =	swait.ge [sflag:s3], $0x580  }
0xa: {  	s6 =	simm.s32 $0x80;
	s7 =	simm.s32 $0x580;
	[sflag:s3] =	ssyncset.done $0x0  }
0xb: {  	s8 =	simm.s32 $0x1;
	s5 =	sadd.s32 $0xC00, s29;
	[sflag:s3] =	ssyncadd.s32 $0xFFFFFA80  }
0xc: {  	[tilespmem:s7], [sflag:$0x1] =	stream.indirect.gather [hbm4b:s5+s6], $0x10, s2, s6, $0xb8;
	[tilespmem:$0x5D80] =	vst v63  }
0xd: {  	_ =	swait.ge [sflag:s8], $0x800  }
0xe: {  	[sflag:s8] =	ssyncset.done $0x0  }
0xf: {  	s9 =	simm.s32 $0xD80;
	[sflag:s8] =	ssyncadd.s32 $0xFFFFF800  }
0x10: {  	[tilespmem:s9], [sflag:$0x1] =	stream.indirect.gather [hbm4b:s5+s6], $0x10, s6, s6, $0xb8;
	[tilespmem:$0x5D80] =	vst v63  }
0x11: {  	_ =	swait.ge [sflag:s8], $0x800  }
0x12: {  	[sflag:s8] =	ssyncset.done $0x0  }
0x13: {  	s10 =	simm.s32 $0x100;
	s11 =	simm.s32 $0x1580;
	[sflag:s8] =	ssyncadd.s32 $0xFFFFF800  }
0x14: {  	[tilespmem:s11], [sflag:$0x1] =	stream.indirect.gather [hbm4b:s5+s6], $0x10, s10, s6, $0xb8;
	[tilespmem:$0x5D80] =	vst v63  }
0x15: {  	_ =	swait.ge [sflag:s8], $0x800  }
0x16: {  	[sflag:s8] =	ssyncset.done $0x0  }
0x17: {  	s12 =	simm.s32 $0x180;
	s13 =	simm.s32 $0x1D80;
	[sflag:s8] =	ssyncadd.s32 $0xFFFFF800  }
0x18: {  	[tilespmem:s13], [sflag:$0x1] =	stream.indirect.gather [hbm4b:s5+s6], $0x10, s12, s6, $0xb8;
	[tilespmem:$0x5D80] =	vst v63  }
0x19: {  	_ =	swait.ge [sflag:s8], $0x800  }
0x1a: {  	[sflag:s8] =	ssyncset.done $0x0  }
0x1b: {  	s14 =	simm.s32 $0x200;
	s15 =	simm.s32 $0x2580;
	[sflag:s8] =	ssyncadd.s32 $0xFFFFF800  }
0x1c: {  	[tilespmem:s15], [sflag:$0x1] =	stream.indirect.gather [hbm4b:s5+s6], $0x10, s14, s6, $0xb8;
	[tilespmem:$0x5D80] =	vst v63  }
0x1d: {  	_ =	swait.ge [sflag:s8], $0x800  }
0x1e: {  	[sflag:s8] =	ssyncset.done $0x0  }
0x1f: {  	s16 =	simm.s32 $0x280;
	s17 =	simm.s32 $0x2D80;
	[sflag:s8] =	ssyncadd.s32 $0xFFFFF800  }
0x20: {  	[tilespmem:s17], [sflag:$0x1] =	stream.indirect.gather [hbm4b:s5+s6], $0x10, s16, s6, $0xb8;
	[tilespmem:$0x5D80] =	vst v63  }
0x21: {  	_ =	swait.ge [sflag:s8], $0x800  }
0x22: {  	[sflag:s8] =	ssyncset.done $0x0  }
0x23: {  	s18 =	simm.s32 $0x300;
	s19 =	simm.s32 $0x3580;
	[sflag:s8] =	ssyncadd.s32 $0xFFFFF800  }
0x24: {  	[tilespmem:s19], [sflag:$0x1] =	stream.indirect.gather [hbm4b:s5+s6], $0x10, s18, s6, $0xb8;
	[tilespmem:$0x5D80] =	vst v63  }
0x25: {  	_ =	swait.ge [sflag:s8], $0x800  }
0x26: {  	[sflag:s8] =	ssyncset.done $0x0  }
0x27: {  	s20 =	simm.s32 $0x380;
	s21 =	simm.s32 $0x3D80;
	[sflag:s8] =	ssyncadd.s32 $0xFFFFF800  }
0x28: {  	[tilespmem:s21], [sflag:$0x1] =	stream.indirect.gather [hbm4b:s5+s6], $0x10, s20, s6, $0xb8;
	[tilespmem:$0x5D80] =	vst v63  }
0x29: {  	_ =	swait.ge [sflag:s8], $0x800  }
0x2a: {  	[sflag:s8] =	ssyncset.done $0x0  }
0x2b: {  	s22 =	simm.s32 $0x400;
	s23 =	simm.s32 $0x4580;
	[sflag:s8] =	ssyncadd.s32 $0xFFFFF800  }
0x2c: {  	[tilespmem:s23], [sflag:$0x1] =	stream.indirect.gather [hbm4b:s5+s6], $0x10, s22, s6, $0xb8;
	[tilespmem:$0x5D80] =	vst v63  }
0x2d: {  	_ =	swait.ge [sflag:s8], $0x800  }
0x2e: {  	s24 =	simm.s32 $0x480;
	[sflag:s8] =	ssyncset.done $0x0  }
0x2f: {  	s25 =	simm.s32 $0x4D80;
	s31 =	ssub.s32 $0x2, s26;
	[sflag:s8] =	ssyncadd.s32 $0xFFFFF800  }
0x30: {  	[tilespmem:s25], [sflag:$0x1] =	stream.indirect.gather [hbm4b:s5+s6], $0x10, s24, s6, $0xb8;
	[tilespmem:$0x5D80] =	vst v63  }
0x31: {  	s26 =	simm.s32 $0x500;
	s1 =	sshrl.u32 s31, $0x1;
	_ =	swait.ge [sflag:s8], $0x800  }
0x32: {  	s30 =	smul.u32 $0xB00, s28;
	s1 =	ssub.s32 s31, s1;
	[sflag:s8] =	ssyncset.done $0x0  }
0x33: {  	s28 =	simm.s32 $0x5580;
	s1 =	smax.u32 s1, $0x1;
	[sflag:s8] =	ssyncadd.s32 $0xFFFFF800  }
0x34: {  	[tilespmem:s28], [sflag:$0x1] =	stream.indirect.gather [hbm4b:s5+s6], $0x10, s26, s6, $0xb8;
	[tilespmem:$0x5D80] =	vst v63  }
0x35: {  	p0 =	sne.s32 s1, $0x1;
	_ =	swait.ge [sflag:s8], $0x800  }
.Ltmp0:
0x36: {  	s29 =	sadd.s32 s30, s29;
	[sflag:s8] =	ssyncset.done $0x0;
	(pc) =	sbr.rel @!p0 .LBB2_2-.Ltmp0, $4  }
0x37: {  	s29 =	sadd.s32 $0x5800, s29;
	[sflag:s8] =	ssyncadd.s32 $0xFFFFF800  }
0x38: {  	[hbm4b:s29+s2] =	stream.linear.scatter [tilespmem:s7], [sflag:$0x2], $0x5800, $0x38;
	[tilespmem:$0x5D80] =	vst v63  }
0x39: {  	_ =	swait.ge [sflag:s3], $0x5800  }
0x3a: {  	s30 =	sadd.s32 $0xFFFFFFFF, s1;
	[sflag:s3] =	ssyncset.done $0x0  }
.LBB2_1:
0x3b: {  	p0 =	sne.s32 s30, $0x1;
	s30 =	sadd.s32 $0xFFFFFFFF, s30;
	[sflag:s3] =	ssyncadd.s32 $0xFFFFA800  }
0x3c: {  	[tilespmem:s2], [sflag:$0x2] =	stream.linear.gather [hbm4b:s4+s2], $0x580, $0x38;
	[tilespmem:$0x5D80] =	vst v63  }
0x3d: {  	_ =	swait.ge [sflag:s3], $0x580  }
0x3e: {  	[sflag:s3] =	ssyncset.done $0x0  }
0x3f: {  	[sflag:s3] =	ssyncadd.s32 $0xFFFFFA80  }
0x40: {  	[tilespmem:s7], [sflag:$0x1] =	stream.indirect.gather [hbm4b:s5+s6], $0x10, s2, s6, $0xb8;
	[tilespmem:$0x5D80] =	vst v63  }
0x41: {  	_ =	swait.ge [sflag:s8], $0x800  }
0x42: {  	[sflag:s8] =	ssyncset.done $0x0  }
0x43: {  	[sflag:s8] =	ssyncadd.s32 $0xFFFFF800  }
0x44: {  	[tilespmem:s9], [sflag:$0x1] =	stream.indirect.gather [hbm4b:s5+s6], $0x10, s6, s6, $0xb8;
	[tilespmem:$0x5D80] =	vst v63  }
0x45: {  	_ =	swait.ge [sflag:s8], $0x800  }
0x46: {  	[sflag:s8] =	ssyncset.done $0x0  }
0x47: {  	[sflag:s8] =	ssyncadd.s32 $0xFFFFF800  }
0x48: {  	[tilespmem:s11], [sflag:$0x1] =	stream.indirect.gather [hbm4b:s5+s6], $0x10, s10, s6, $0xb8;
	[tilespmem:$0x5D80] =	vst v63  }
0x49: {  	_ =	swait.ge [sflag:s8], $0x800  }
0x4a: {  	[sflag:s8] =	ssyncset.done $0x0  }
0x4b: {  	[sflag:s8] =	ssyncadd.s32 $0xFFFFF800  }
0x4c: {  	[tilespmem:s13], [sflag:$0x1] =	stream.indirect.gather [hbm4b:s5+s6], $0x10, s12, s6, $0xb8;
	[tilespmem:$0x5D80] =	vst v63  }
0x4d: {  	_ =	swait.ge [sflag:s8], $0x800  }
0x4e: {  	[sflag:s8] =	ssyncset.done $0x0  }
0x4f: {  	[sflag:s8] =	ssyncadd.s32 $0xFFFFF800  }
0x50: {  	[tilespmem:s15], [sflag:$0x1] =	stream.indirect.gather [hbm4b:s5+s6], $0x10, s14, s6, $0xb8;
	[tilespmem:$0x5D80] =	vst v63  }
0x51: {  	_ =	swait.ge [sflag:s8], $0x800  }
0x52: {  	[sflag:s8] =	ssyncset.done $0x0  }
0x53: {  	[sflag:s8] =	ssyncadd.s32 $0xFFFFF800  }
0x54: {  	[tilespmem:s17], [sflag:$0x1] =	stream.indirect.gather [hbm4b:s5+s6], $0x10, s16, s6, $0xb8;
	[tilespmem:$0x5D80] =	vst v63  }
0x55: {  	_ =	swait.ge [sflag:s8], $0x800  }
0x56: {  	[sflag:s8] =	ssyncset.done $0x0  }
0x57: {  	[sflag:s8] =	ssyncadd.s32 $0xFFFFF800  }
0x58: {  	[tilespmem:s19], [sflag:$0x1] =	stream.indirect.gather [hbm4b:s5+s6], $0x10, s18, s6, $0xb8;
	[tilespmem:$0x5D80] =	vst v63  }
0x59: {  	_ =	swait.ge [sflag:s8], $0x800  }
0x5a: {  	[sflag:s8] =	ssyncset.done $0x0  }
0x5b: {  	[sflag:s8] =	ssyncadd.s32 $0xFFFFF800  }
0x5c: {  	[tilespmem:s21], [sflag:$0x1] =	stream.indirect.gather [hbm4b:s5+s6], $0x10, s20, s6, $0xb8;
	[tilespmem:$0x5D80] =	vst v63  }
0x5d: {  	_ =	swait.ge [sflag:s8], $0x800  }
0x5e: {  	[sflag:s8] =	ssyncset.done $0x0  }
0x5f: {  	[sflag:s8] =	ssyncadd.s32 $0xFFFFF800  }
0x60: {  	[tilespmem:s23], [sflag:$0x1] =	stream.indirect.gather [hbm4b:s5+s6], $0x10, s22, s6, $0xb8;
	[tilespmem:$0x5D80] =	vst v63  }
0x61: {  	_ =	swait.ge [sflag:s8], $0x800  }
0x62: {  	[sflag:s8] =	ssyncset.done $0x0  }
0x63: {  	[sflag:s8] =	ssyncadd.s32 $0xFFFFF800  }
0x64: {  	[tilespmem:s25], [sflag:$0x1] =	stream.indirect.gather [hbm4b:s5+s6], $0x10, s24, s6, $0xb8;
	[tilespmem:$0x5D80] =	vst v63  }
0x65: {  	_ =	swait.ge [sflag:s8], $0x800  }
0x66: {  	[sflag:s8] =	ssyncset.done $0x0  }
0x67: {  	[sflag:s8] =	ssyncadd.s32 $0xFFFFF800  }
0x68: {  	[tilespmem:s28], [sflag:$0x1] =	stream.indirect.gather [hbm4b:s5+s6], $0x10, s26, s6, $0xb8;
	[tilespmem:$0x5D80] =	vst v63  }
0x69: {  	_ =	swait.ge [sflag:s8], $0x800  }
.Ltmp1:
0x6a: {  	[sflag:s8] =	ssyncset.done $0x0;
	(pc) =	sbr.rel @p0 .LBB2_1-.Ltmp1, $4  }
0x6b: {  	[sflag:s8] =	ssyncadd.s32 $0xFFFFF800  }
0x6c: {  	[hbm4b:s29+s2] =	stream.linear.scatter [tilespmem:s7], [sflag:$0x2], $0x5800, $0x38;
	[tilespmem:$0x5D80] =	vst v63  }
0x6d: {  	_ =	swait.ge [sflag:s3], $0x5800  }
0x6e: {  	[sflag:s3] =	ssyncset.done $0x0  }
.LBB2_2:
0x6f: {  	[sflag:s3] =	ssyncadd.s32 $0xFFFFA800  }
0x70: {  	_ =	sfence.sel $0x180000  }
0x71: {  	[bflag:$0x0] =	sbarrier.arrive $0xFFFF  }
0x72: {  	_ =	strace $0x90000047  }
0x73: {  	[bflag:$0x2] =	sbarrier.arrive $0xFFFF  }
0x74: {  	p0 =	sne.s32 s0, $0x0;
	s0 =	rddreg [dreg:$0x1]  }
0x75: {  	s0 =	sadd.s32 @!p0 $0x100000, s0  }
0x76: {  	[sflag:s0] =	ssyncadd.tile.s32 @!p0 $0x1;
	_ =	shalt  }
.Lfunc_end2:
_tile_overlayer_lowered:
.L_overlay_start_2:
0x77: {  	(tag) =	ssettag $0x2  }
0x78: {  	s0 =	rddreg [dreg:$0x0];
	s2 =	stileid.u32  }
0x79: {  	s1 =	rddreg [dreg:$0x1];
	p0 =	sne.s32 s2, $0x0  }
0x7a: {  	s3 =	rddreg [dreg:$0x2];
	[bflag:$0x3] =	sbarrier.arrive $0xFFFF;
	s2 =	simm.s32 @!p0 $0x1C02  }
0x7b: {  	[timem:s3], [sflag:s2] =	dma.local @!p0 [hbm:s0], s1  }
0x7c: {  	s0 =	simm.s32 @!p0 $0x2  }
0x7d: {  	_ =	swait.ge @!p0 [sflag:s0], s1  }
0x7e: {  	s1 =	ssub.s32 @!p0 $0x0, s1;
	[sflag:s0] =	ssyncset.done @!p0 $0x0  }
0x7f: {  	[sflag:s0] =	ssyncadd.s32 @!p0 s1  }
0x80: {  	[bflag:$0x3] =	sbarrier.arrive $0xFFFF  }
0x81: {  	_ =	shalt  }

</sc_bundles>
